<compile_context>
chip_gen: v7x
topology: tpu7x:2x2x1
jax: 0.10.2.dev20260603
libtpu: 0.0.44.dev20260713+nightly
codegen_flags: <defaults>
</compile_context>

<pallas_src>
import functools

import jax
import jax.numpy as jnp
from jax import lax
from jax.experimental import pallas as pl
from jax.experimental.pallas import tpu as pltpu
from jax.experimental.pallas import tpu_sc as plsc

IN_F = 4096
OUT_F = 4096
GS = 8
GROUPS = IN_F // GS
NCB = 2
CB_SIZE = 2 ** 16
IDX_PER_ROW = GROUPS * NCB
NCHUNK = IDX_PER_ROW // 128
NC, NS = 2, 16
NW = NC * NS
ROWS_PER_W = OUT_F // NW
RB = OUT_F // 8
KB = IN_F // 128


def _sc_gather_body(
    table_hbm, idx_hbm, w4_hbm, idxb, rows, ws, table_sp, isem, gsem, wsem
):
    sid = lax.axis_index("s")
    wid = sid * NC + lax.axis_index("c")
    base_row = wid * ROWS_PER_W

    @pl.when(sid == 0)
    def _():
        pltpu.sync_copy(table_hbm, table_sp)

    plsc.subcore_barrier()
    lane = lax.iota(jnp.int32, 16)
    cb_off = (lane & 1) << 16
    half = lane >> 3
    lanemod = lane & 7

    def add_offsets(slot):
        def off_body(j, carry3):
            idxb[slot, pl.ds(j * 16, 16)] = (
                idxb[slot, pl.ds(j * 16, 16)] + cb_off
            )
            return carry3

        lax.fori_loop(0, IDX_PER_ROW // 16, off_body, 0, unroll=8)

    def fire_gather(slot):
        pltpu.async_copy(table_sp.at[idxb.at[slot]], rows.at[slot], gsem)

    for r0 in range(3):
        pltpu.sync_copy(idx_hbm.at[base_row + r0], idxb.at[r0])
        add_offsets(r0)
        fire_gather(r0)
    pltpu.async_copy(idx_hbm.at[base_row + 3], idxb.at[3], isem)

    def row_body(r, carry):
        o = base_row + r
        p = r & 3
        n3 = (r + 3) & 3
        pw = r & 1
        pltpu.make_async_copy(table_sp.at[idxb.at[p]], rows.at[p], gsem).wait()

        @pl.when(r + 4 < ROWS_PER_W)
        def _():
            pltpu.async_copy(idx_hbm.at[o + 4], idxb.at[p], isem)

        @pl.when(r + 3 < ROWS_PER_W)
        def _():
            pltpu.make_async_copy(
                idx_hbm.at[o + 3], idxb.at[n3], isem
            ).wait()
            add_offsets(n3)
            fire_gather(n3)

        @pl.when(r >= 2)
        def _():
            pltpu.make_async_copy(
                ws.at[pw], w4_hbm.at[(o - 2) // 8, :, (o - 2) % 8, :], wsem
            ).wait()

        pvec = lane * 0 + p

        def sum_body(t, carry2):
            base = 4 * t + 2 * half
            a = plsc.load_gather(rows, [pvec, base, lanemod])
            b = plsc.load_gather(rows, [pvec, base + 1, lanemod])
            ws[pw, t >> 3, pl.ds((t & 7) * 16, 16)] = a + b
            return carry2

        lax.fori_loop(0, IN_F // 16, sum_body, 0, unroll=8)
        pltpu.async_copy(ws.at[pw], w4_hbm.at[o // 8, :, o % 8, :], wsem)
        return carry

    lax.fori_loop(0, ROWS_PER_W, row_body, 0)

    last = base_row + ROWS_PER_W - 2
    pltpu.make_async_copy(
        ws.at[0], w4_hbm.at[last // 8, :, last % 8, :], wsem
    ).wait()
    pltpu.make_async_copy(
        ws.at[1], w4_hbm.at[(last + 1) // 8, :, (last + 1) % 8, :], wsem
    ).wait()


@jax.jit
def _sc_gather(table, idx):
    mesh = plsc.VectorSubcoreMesh(core_axis_name="c", subcore_axis_name="s")
    f = functools.partial(
        pl.kernel,
        out_type=jax.ShapeDtypeStruct((RB, KB, 8, 128), jnp.float32),
        mesh=mesh,
        scratch_types=[
            pltpu.VMEM((4, IDX_PER_ROW), jnp.int32),
            pltpu.VMEM((4, IDX_PER_ROW, GS), jnp.float32),
            pltpu.VMEM((2, KB, 128), jnp.float32),
            pltpu.VMEM_SHARED((NCB * CB_SIZE, GS), jnp.float32),
            pltpu.SemaphoreType.DMA,
            pltpu.SemaphoreType.DMA,
            pltpu.SemaphoreType.DMA,
        ],
        compiler_params=pltpu.CompilerParams(
            use_tc_tiling_on_sc=False, needs_layout_passes=False
        ),
    )(_sc_gather_body)
    return f(table, idx)


def _mm_body(x_ref, w_ref, s_ref, b_ref, o_ref):
    acc = jnp.zeros((32, w_ref.shape[0] * 8), jnp.float32)
    for kb in range(KB):
        w2 = w_ref[:, kb].reshape(w_ref.shape[0] * 8, 128)
        acc = acc + lax.dot_general(
            x_ref[:, pl.ds(kb * 128, 128)],
            w2,
            (((1,), (1,)), ((), ())),
            preferred_element_type=jnp.float32,
        )
    o_ref[...] = acc * s_ref[...] + b_ref[...]


@jax.jit
def _tc_matmul(x, w4, scales_row, bias_row):
    rbb = 64
    grid = (RB // rbb,)
    return pl.pallas_call(
        _mm_body,
        grid=grid,
        in_specs=[
            pl.BlockSpec((32, IN_F), lambda j: (0, 0)),
            pl.BlockSpec((rbb, KB, 8, 128), lambda j: (j, 0, 0, 0)),
            pl.BlockSpec((1, rbb * 8), lambda j: (0, j)),
            pl.BlockSpec((1, rbb * 8), lambda j: (0, j)),
        ],
        out_specs=pl.BlockSpec((32, rbb * 8), lambda j: (0, j)),
        out_shape=jax.ShapeDtypeStruct((32, OUT_F), jnp.float32),
        compiler_params=pltpu.CompilerParams(
            dimension_semantics=("arbitrary",)
        ),
    )(x, w4, scales_row, bias_row)


def kernel(input, codes, codebooks, scales, bias):
    table = codebooks.reshape(NCB * CB_SIZE, GS)
    idx = codes.reshape(OUT_F, IDX_PER_ROW)
    w4 = _sc_gather(table, idx)
    return _tc_matmul(
        input, w4, scales.reshape(1, OUT_F), bias.reshape(1, OUT_F)
    )

# --- scband reference (transcript-rebuilt; emitter-appended) ---
"""Pipeline reference for scband-finalized-quantized-linear-31387620999494 (READ-ONLY COPY).

The authoritative reference and input builder live on the scoring server;
editing this copy changes nothing except your own understanding.
"""

import jax, jax.numpy as jnp
import numpy as np

IN_FEATURES = 4096
OUT_FEATURES = 4096
IN_GROUP_SIZE = 8
OUT_GROUP_SIZE = 1
NUM_CODEBOOKS = 2
CODEBOOK_SIZE = 2 ** 16
NUM_OUT_GROUPS = OUT_FEATURES // OUT_GROUP_SIZE
NUM_IN_GROUPS = IN_FEATURES // IN_GROUP_SIZE


def setup_inputs(seed: int = 0) -> dict:
    key = jax.random.key(seed)
    k1, k2, k3, k4, k5 = jax.random.split(key, 5)
    input = jax.random.normal(k1, (32, IN_FEATURES), dtype=jnp.float32)
    codes = jax.random.randint(
        k2, (NUM_OUT_GROUPS, NUM_IN_GROUPS, NUM_CODEBOOKS), 0, CODEBOOK_SIZE, dtype=jnp.int32
    )
    codebooks = jax.random.normal(
        k3, (NUM_CODEBOOKS, CODEBOOK_SIZE, OUT_GROUP_SIZE, IN_GROUP_SIZE), dtype=jnp.float32
    ) * 0.02
    scales = jax.random.uniform(k4, (NUM_OUT_GROUPS, 1, 1, 1), dtype=jnp.float32, minval=0.5, maxval=1.5)
    bias = jax.random.normal(k5, (OUT_FEATURES,), dtype=jnp.float32) * 0.01
    return {"input": input, "codes": codes, "codebooks": codebooks, "scales": scales, "bias": bias}


def _dequantize_weight(codes, codebooks, scales):
    # codes: [num_out_groups, num_in_groups, num_codebooks]
    # codebooks: [num_codebooks, codebook_size, out_group_size, in_group_size]
    num_out_groups, num_in_groups, num_codebooks = codes.shape
    _, codebook_size, out_group_size, in_group_size = codebooks.shape
    out_features = num_out_groups * out_group_size
    in_features = num_in_groups * in_group_size
    codebook_offsets = jnp.arange(0, num_codebooks * codebook_size, codebook_size, dtype=codes.dtype)
    flat_codes = codes.reshape(-1, num_codebooks) + codebook_offsets[None, :]
    codebooks_flat = codebooks.reshape(num_codebooks * codebook_size, out_group_size * in_group_size)
    # embedding_bag(mode='sum'): gather then sum over the codebook axis
    gathered = jnp.take(codebooks_flat, flat_codes, axis=0)  # [N, num_codebooks, g]
    reconstructed_flat = jnp.sum(gathered, axis=1)  # [N, out_group_size*in_group_size]
    w = reconstructed_flat.reshape(num_out_groups, num_in_groups, out_group_size, in_group_size)
    w = w * scales
    w = jnp.swapaxes(w, -3, -2)  # [num_out_groups, out_group_size, num_in_groups, in_group_size]
    return w.reshape(out_features, in_features)


def reference(input, codes, codebooks, scales, bias):
    weight = _dequantize_weight(codes, codebooks, scales)
    out = input @ weight.T + bias
    return out

if __name__ == "__main__":
    import jax
    _d = setup_inputs()
    print(jax.jit(kernel)(*tuple(_d.values())))

</pallas_src>

<mosaic_0001>
#map = affine_map<(d0, d1) -> (0, 0)>
#map1 = affine_map<(d0, d1) -> (0, 0, 0, 0)>
module attributes {stable_mosaic.version = 14 : i64} {
  func.func @_sc_gather_body(%arg0: i32, %arg1: i32, %arg2: memref<131072x8xf32, #tpu.memory_space<hbm>>, %arg3: memref<4096x1024xi32, #tpu.memory_space<hbm>>, %arg4: memref<512x32x8x128xf32, #tpu.memory_space<hbm>>, %arg5: memref<4x1024xi32, #tpu.memory_space<vmem>>, %arg6: memref<4x1024x8xf32, #tpu.memory_space<vmem>>, %arg7: memref<2x32x128xf32, #tpu.memory_space<vmem>>, %arg8: memref<131072x8xf32, #tpu.memory_space<vmem_shared>>, %arg9: memref<!tpu.dma_semaphore, #tpu.memory_space<semaphore_mem>>, %arg10: memref<!tpu.dma_semaphore, #tpu.memory_space<semaphore_mem>>, %arg11: memref<!tpu.dma_semaphore, #tpu.memory_space<semaphore_mem>>) attributes {dimension_semantics = [#tpu.dimension_semantics<core_parallel>, #tpu.dimension_semantics<subcore_parallel>], iteration_bounds = array<i64: 2, 16>, scalar_prefetch = 0 : i64, scratch_operands = 7 : i64, tpu.core_type = #tpu.core_type<sc_vector_subcore>, window_params = [{transform_indices = #map}, {transform_indices = #map}, {transform_indices = #map1}]} {
    %mul3A = arith.constant 2 : i32
    %mul3A_0 = arith.muli %arg1, %mul3A : i32
    %add3A = arith.addi %mul3A_0, %arg0 : i32
    %mul3A_1 = arith.constant 128 : i32
    %mul3A_2 = arith.muli %add3A, %mul3A_1 : i32
    %eq3A = arith.constant 0 : i32
    %eq3A_3 = arith.cmpi eq, %arg1, %eq3A : i32
    %convert_element_type3A = arith.extui %eq3A_3 : i1 to i32
    %cond3A = arith.constant 0 : i32
    %cond3A_4 = arith.cmpi ne, %convert_element_type3A, %cond3A : i32
    scf.if %cond3A_4 {
      "tpu.region"() ({
        %run_scoped3A_208 = tpu.sem_alloc : memref<!tpu.dma_semaphore, #tpu.memory_space<semaphore_mem>>
        tpu.enqueue_dma source(%arg2 : memref<131072x8xf32, #tpu.memory_space<hbm>>) target(%arg8 : memref<131072x8xf32, #tpu.memory_space<vmem_shared>>) target_semaphore(%run_scoped3A_208 : memref<!tpu.dma_semaphore, #tpu.memory_space<semaphore_mem>>)
        tpu.wait_dma2 semaphore(%run_scoped3A_208 : memref<!tpu.dma_semaphore, #tpu.memory_space<semaphore_mem>>) src(%arg2 : memref<131072x8xf32, #tpu.memory_space<hbm>>) dst(%arg8 : memref<131072x8xf32, #tpu.memory_space<vmem_shared>>)
        tpu.yield
      }) : () -> ()
    } else {
    }
    %barrier3A = arith.constant 0 : index
    tpu.barrier barrier_id(%barrier3A)
    %iota3A = tpu.iota {dimensions = array<i32: 0>} : vector<16xi32>
    %and3A = arith.constant 1 : i32
    %and3A_5 = vector.broadcast %and3A : i32 to vector<16xi32>
    %and3A_6 = arith.andi %iota3A, %and3A_5 : vector<16xi32>
    %shift_left3A = arith.constant 16 : i32
    %shift_left3A_7 = vector.broadcast %shift_left3A : i32 to vector<16xi32>
    %shift_left3A_8 = arith.shli %and3A_6, %shift_left3A_7 : vector<16xi32>
    %shift_right_arithmetic3A = arith.constant 3 : i32
    %shift_right_arithmetic3A_9 = vector.broadcast %shift_right_arithmetic3A : i32 to vector<16xi32>
    %shift_right_arithmetic3A_10 = arith.shrsi %iota3A, %shift_right_arithmetic3A_9 : vector<16xi32>
    %and3A_11 = arith.constant 7 : i32
    %and3A_12 = vector.broadcast %and3A_11 : i32 to vector<16xi32>
    %and3A_13 = arith.andi %iota3A, %and3A_12 : vector<16xi32>
    %add3A_14 = arith.constant 0 : i32
    %add3A_15 = arith.addi %mul3A_2, %add3A_14 : i32
    %run_scoped3A = arith.constant 0 : i32
    "tpu.region"() ({
      %run_scoped3A_208 = tpu.sem_alloc : memref<!tpu.dma_semaphore, #tpu.memory_space<semaphore_mem>>
      %dma_start3A_209 = arith.constant 0 : i32
      %dma_start3A_210 = tpu.memref_slice %arg5[%run_scoped3A, %dma_start3A_209] : memref<4x1024xi32, #tpu.memory_space<vmem>> -> memref<1x1024xi32, #tpu.memory_space<vmem>>
      %dma_start3A_211 = tpu.memref_squeeze %dma_start3A_210 : memref<1x1024xi32, #tpu.memory_space<vmem>> -> memref<1024xi32, #tpu.memory_space<vmem>>
      %dma_start3A_212 = arith.constant 0 : i32
      %dma_start3A_213 = tpu.memref_slice %arg3[%add3A_15, %dma_start3A_212] : memref<4096x1024xi32, #tpu.memory_space<hbm>> -> memref<1x1024xi32, #tpu.memory_space<hbm>>
      %dma_start3A_214 = tpu.memref_squeeze %dma_start3A_213 : memref<1x1024xi32, #tpu.memory_space<hbm>> -> memref<1024xi32, #tpu.memory_space<hbm>>
      %dma_start3A_215 = arith.constant 0 : i32
      %dma_start3A_216 = tpu.memref_slice %arg5[%run_scoped3A, %dma_start3A_215] : memref<4x1024xi32, #tpu.memory_space<vmem>> -> memref<1x1024xi32, #tpu.memory_space<vmem>>
      %dma_start3A_217 = tpu.memref_squeeze %dma_start3A_216 : memref<1x1024xi32, #tpu.memory_space<vmem>> -> memref<1024xi32, #tpu.memory_space<vmem>>
      %dma_start3A_218 = arith.constant 0 : i32
      %dma_start3A_219 = tpu.memref_slice %arg3[%add3A_15, %dma_start3A_218] : memref<4096x1024xi32, #tpu.memory_space<hbm>> -> memref<1x1024xi32, #tpu.memory_space<hbm>>
      %dma_start3A_220 = tpu.memref_squeeze %dma_start3A_219 : memref<1x1024xi32, #tpu.memory_space<hbm>> -> memref<1024xi32, #tpu.memory_space<hbm>>
      tpu.enqueue_dma source(%dma_start3A_220 : memref<1024xi32, #tpu.memory_space<hbm>>) target(%dma_start3A_217 : memref<1024xi32, #tpu.memory_space<vmem>>) target_semaphore(%run_scoped3A_208 : memref<!tpu.dma_semaphore, #tpu.memory_space<semaphore_mem>>)
      %dma_wait3A_221 = arith.constant 0 : i32
      %dma_wait3A_222 = tpu.memref_slice %arg5[%run_scoped3A, %dma_wait3A_221] : memref<4x1024xi32, #tpu.memory_space<vmem>> -> memref<1x1024xi32, #tpu.memory_space<vmem>>
      %dma_wait3A_223 = tpu.memref_squeeze %dma_wait3A_222 : memref<1x1024xi32, #tpu.memory_space<vmem>> -> memref<1024xi32, #tpu.memory_space<vmem>>
      %dma_wait3A_224 = arith.constant 0 : i32
      %dma_wait3A_225 = tpu.memref_slice %arg3[%add3A_15, %dma_wait3A_224] : memref<4096x1024xi32, #tpu.memory_space<hbm>> -> memref<1x1024xi32, #tpu.memory_space<hbm>>
      %dma_wait3A_226 = tpu.memref_squeeze %dma_wait3A_225 : memref<1x1024xi32, #tpu.memory_space<hbm>> -> memref<1024xi32, #tpu.memory_space<hbm>>
      %dma_wait3A_227 = arith.constant 0 : i32
      %dma_wait3A_228 = tpu.memref_slice %arg5[%run_scoped3A, %dma_wait3A_227] : memref<4x1024xi32, #tpu.memory_space<vmem>> -> memref<1x1024xi32, #tpu.memory_space<vmem>>
      %dma_wait3A_229 = tpu.memref_squeeze %dma_wait3A_228 : memref<1x1024xi32, #tpu.memory_space<vmem>> -> memref<1024xi32, #tpu.memory_space<vmem>>
      %dma_wait3A_230 = arith.constant 0 : i32
      %dma_wait3A_231 = tpu.memref_slice %arg3[%add3A_15, %dma_wait3A_230] : memref<4096x1024xi32, #tpu.memory_space<hbm>> -> memref<1x1024xi32, #tpu.memory_space<hbm>>
      %dma_wait3A_232 = tpu.memref_squeeze %dma_wait3A_231 : memref<1x1024xi32, #tpu.memory_space<hbm>> -> memref<1024xi32, #tpu.memory_space<hbm>>
      tpu.wait_dma2 semaphore(%run_scoped3A_208 : memref<!tpu.dma_semaphore, #tpu.memory_space<semaphore_mem>>) src(%dma_wait3A_232 : memref<1024xi32, #tpu.memory_space<hbm>>) dst(%dma_wait3A_229 : memref<1024xi32, #tpu.memory_space<vmem>>)
      tpu.yield
    }) : () -> ()
    %scan3A = arith.constant 0 : i32
    %scan3A_16 = arith.constant 0 : i32
    %scan3A_17 = arith.constant 64 : i32
    %scan3A_18 = arith.addi %scan3A_16, %scan3A_17 : i32
    %scan3A_19 = arith.constant 8 : i32
    scf.for %scan3A_208 = %scan3A_16 to %scan3A_18 step %scan3A_19  : i32 {
      %mul3A_209 = arith.constant 16 : i32
      %mul3A_210 = arith.muli %scan3A_208, %mul3A_209 : i32
      %get3A = arith.constant 0 : i32
      %get3A_211 = arith.index_cast %get3A : i32 to index
      %get3A_212 = arith.index_cast %mul3A_210 : i32 to index
      %get3A_213 = tpu.vector_load %arg5[%get3A_211, %get3A_212] {strides = array<i32>} : memref<4x1024xi32, #tpu.memory_space<vmem>>, vector<16xi32>,
      %add3A_214 = arith.addi %get3A_213, %shift_left3A_8 : vector<16xi32>
      %mul3A_215 = arith.constant 16 : i32
      %mul3A_216 = arith.muli %scan3A_208, %mul3A_215 : i32
      %swap3A = arith.constant 0 : i32
      %swap3A_217 = arith.index_cast %swap3A : i32 to index
      %swap3A_218 = arith.index_cast %mul3A_216 : i32 to index
      %swap3A_219 = tpu.vector_load %arg5[%swap3A_217, %swap3A_218] {strides = array<i32>} : memref<4x1024xi32, #tpu.memory_space<vmem>>, vector<16xi32>,
      tpu.vector_store %arg5[%swap3A_217, %swap3A_218], %add3A_214 {strides = array<i32>} : memref<4x1024xi32, #tpu.memory_space<vmem>>, vector<16xi32>,
      %scan3A_220 = arith.constant 1 : i32
      %scan3A_221 = arith.addi %scan3A_208, %scan3A_220 : i32
      %mul3A_222 = arith.constant 16 : i32
      %mul3A_223 = arith.muli %scan3A_221, %mul3A_222 : i32
      %get3A_224 = arith.constant 0 : i32
      %get3A_225 = arith.index_cast %get3A_224 : i32 to index
      %get3A_226 = arith.index_cast %mul3A_223 : i32 to index
      %get3A_227 = tpu.vector_load %arg5[%get3A_225, %get3A_226] {strides = array<i32>} : memref<4x1024xi32, #tpu.memory_space<vmem>>, vector<16xi32>,
      %add3A_228 = arith.addi %get3A_227, %shift_left3A_8 : vector<16xi32>
      %mul3A_229 = arith.constant 16 : i32
      %mul3A_230 = arith.muli %scan3A_221, %mul3A_229 : i32
      %swap3A_231 = arith.constant 0 : i32
      %swap3A_232 = arith.index_cast %swap3A_231 : i32 to index
      %swap3A_233 = arith.index_cast %mul3A_230 : i32 to index
      %swap3A_234 = tpu.vector_load %arg5[%swap3A_232, %swap3A_233] {strides = array<i32>} : memref<4x1024xi32, #tpu.memory_space<vmem>>, vector<16xi32>,
      tpu.vector_store %arg5[%swap3A_232, %swap3A_233], %add3A_228 {strides = array<i32>} : memref<4x1024xi32, #tpu.memory_space<vmem>>, vector<16xi32>,
      %scan3A_235 = arith.constant 2 : i32
      %scan3A_236 = arith.addi %scan3A_208, %scan3A_235 : i32
      %mul3A_237 = arith.constant 16 : i32
      %mul3A_238 = arith.muli %scan3A_236, %mul3A_237 : i32
      %get3A_239 = arith.constant 0 : i32
      %get3A_240 = arith.index_cast %get3A_239 : i32 to index
      %get3A_241 = arith.index_cast %mul3A_238 : i32 to index
      %get3A_242 = tpu.vector_load %arg5[%get3A_240, %get3A_241] {strides = array<i32>} : memref<4x1024xi32, #tpu.memory_space<vmem>>, vector<16xi32>,
      %add3A_243 = arith.addi %get3A_242, %shift_left3A_8 : vector<16xi32>
      %mul3A_244 = arith.constant 16 : i32
      %mul3A_245 = arith.muli %scan3A_236, %mul3A_244 : i32
      %swap3A_246 = arith.constant 0 : i32
      %swap3A_247 = arith.index_cast %swap3A_246 : i32 to index
      %swap3A_248 = arith.index_cast %mul3A_245 : i32 to index
      %swap3A_249 = tpu.vector_load %arg5[%swap3A_247, %swap3A_248] {strides = array<i32>} : memref<4x1024xi32, #tpu.memory_space<vmem>>, vector<16xi32>,
      tpu.vector_store %arg5[%swap3A_247, %swap3A_248], %add3A_243 {strides = array<i32>} : memref<4x1024xi32, #tpu.memory_space<vmem>>, vector<16xi32>,
      %scan3A_250 = arith.constant 3 : i32
      %scan3A_251 = arith.addi %scan3A_208, %scan3A_250 : i32
      %mul3A_252 = arith.constant 16 : i32
      %mul3A_253 = arith.muli %scan3A_251, %mul3A_252 : i32
      %get3A_254 = arith.constant 0 : i32
      %get3A_255 = arith.index_cast %get3A_254 : i32 to index
      %get3A_256 = arith.index_cast %mul3A_253 : i32 to index
      %get3A_257 = tpu.vector_load %arg5[%get3A_255, %get3A_256] {strides = array<i32>} : memref<4x1024xi32, #tpu.memory_space<vmem>>, vector<16xi32>,
      %add3A_258 = arith.addi %get3A_257, %shift_left3A_8 : vector<16xi32>
      %mul3A_259 = arith.constant 16 : i32
      %mul3A_260 = arith.muli %scan3A_251, %mul3A_259 : i32
      %swap3A_261 = arith.constant 0 : i32
      %swap3A_262 = arith.index_cast %swap3A_261 : i32 to index
      %swap3A_263 = arith.index_cast %mul3A_260 : i32 to index
      %swap3A_264 = tpu.vector_load %arg5[%swap3A_262, %swap3A_263] {strides = array<i32>} : memref<4x1024xi32, #tpu.memory_space<vmem>>, vector<16xi32>,
      tpu.vector_store %arg5[%swap3A_262, %swap3A_263], %add3A_258 {strides = array<i32>} : memref<4x1024xi32, #tpu.memory_space<vmem>>, vector<16xi32>,
      %scan3A_265 = arith.constant 4 : i32
      %scan3A_266 = arith.addi %scan3A_208, %scan3A_265 : i32
      %mul3A_267 = arith.constant 16 : i32
      %mul3A_268 = arith.muli %scan3A_266, %mul3A_267 : i32
      %get3A_269 = arith.constant 0 : i32
      %get3A_270 = arith.index_cast %get3A_269 : i32 to index
      %get3A_271 = arith.index_cast %mul3A_268 : i32 to index
      %get3A_272 = tpu.vector_load %arg5[%get3A_270, %get3A_271] {strides = array<i32>} : memref<4x1024xi32, #tpu.memory_space<vmem>>, vector<16xi32>,
      %add3A_273 = arith.addi %get3A_272, %shift_left3A_8 : vector<16xi32>
      %mul3A_274 = arith.constant 16 : i32
      %mul3A_275 = arith.muli %scan3A_266, %mul3A_274 : i32
      %swap3A_276 = arith.constant 0 : i32
      %swap3A_277 = arith.index_cast %swap3A_276 : i32 to index
      %swap3A_278 = arith.index_cast %mul3A_275 : i32 to index
      %swap3A_279 = tpu.vector_load %arg5[%swap3A_277, %swap3A_278] {strides = array<i32>} : memref<4x1024xi32, #tpu.memory_space<vmem>>, vector<16xi32>,
      tpu.vector_store %arg5[%swap3A_277, %swap3A_278], %add3A_273 {strides = array<i32>} : memref<4x1024xi32, #tpu.memory_space<vmem>>, vector<16xi32>,
      %scan3A_280 = arith.constant 5 : i32
      %scan3A_281 = arith.addi %scan3A_208, %scan3A_280 : i32
      %mul3A_282 = arith.constant 16 : i32
      %mul3A_283 = arith.muli %scan3A_281, %mul3A_282 : i32
      %get3A_284 = arith.constant 0 : i32
      %get3A_285 = arith.index_cast %get3A_284 : i32 to index
      %get3A_286 = arith.index_cast %mul3A_283 : i32 to index
      %get3A_287 = tpu.vector_load %arg5[%get3A_285, %get3A_286] {strides = array<i32>} : memref<4x1024xi32, #tpu.memory_space<vmem>>, vector<16xi32>,
      %add3A_288 = arith.addi %get3A_287, %shift_left3A_8 : vector<16xi32>
      %mul3A_289 = arith.constant 16 : i32
      %mul3A_290 = arith.muli %scan3A_281, %mul3A_289 : i32
      %swap3A_291 = arith.constant 0 : i32
      %swap3A_292 = arith.index_cast %swap3A_291 : i32 to index
      %swap3A_293 = arith.index_cast %mul3A_290 : i32 to index
      %swap3A_294 = tpu.vector_load %arg5[%swap3A_292, %swap3A_293] {strides = array<i32>} : memref<4x1024xi32, #tpu.memory_space<vmem>>, vector<16xi32>,
      tpu.vector_store %arg5[%swap3A_292, %swap3A_293], %add3A_288 {strides = array<i32>} : memref<4x1024xi32, #tpu.memory_space<vmem>>, vector<16xi32>,
      %scan3A_295 = arith.constant 6 : i32
      %scan3A_296 = arith.addi %scan3A_208, %scan3A_295 : i32
      %mul3A_297 = arith.constant 16 : i32
      %mul3A_298 = arith.muli %scan3A_296, %mul3A_297 : i32
      %get3A_299 = arith.constant 0 : i32
      %get3A_300 = arith.index_cast %get3A_299 : i32 to index
      %get3A_301 = arith.index_cast %mul3A_298 : i32 to index
      %get3A_302 = tpu.vector_load %arg5[%get3A_300, %get3A_301] {strides = array<i32>} : memref<4x1024xi32, #tpu.memory_space<vmem>>, vector<16xi32>,
      %add3A_303 = arith.addi %get3A_302, %shift_left3A_8 : vector<16xi32>
      %mul3A_304 = arith.constant 16 : i32
      %mul3A_305 = arith.muli %scan3A_296, %mul3A_304 : i32
      %swap3A_306 = arith.constant 0 : i32
      %swap3A_307 = arith.index_cast %swap3A_306 : i32 to index
      %swap3A_308 = arith.index_cast %mul3A_305 : i32 to index
      %swap3A_309 = tpu.vector_load %arg5[%swap3A_307, %swap3A_308] {strides = array<i32>} : memref<4x1024xi32, #tpu.memory_space<vmem>>, vector<16xi32>,
      tpu.vector_store %arg5[%swap3A_307, %swap3A_308], %add3A_303 {strides = array<i32>} : memref<4x1024xi32, #tpu.memory_space<vmem>>, vector<16xi32>,
      %scan3A_310 = arith.constant 7 : i32
      %scan3A_311 = arith.addi %scan3A_208, %scan3A_310 : i32
      %mul3A_312 = arith.constant 16 : i32
      %mul3A_313 = arith.muli %scan3A_311, %mul3A_312 : i32
      %get3A_314 = arith.constant 0 : i32
      %get3A_315 = arith.index_cast %get3A_314 : i32 to index
      %get3A_316 = arith.index_cast %mul3A_313 : i32 to index
      %get3A_317 = tpu.vector_load %arg5[%get3A_315, %get3A_316] {strides = array<i32>} : memref<4x1024xi32, #tpu.memory_space<vmem>>, vector<16xi32>,
      %add3A_318 = arith.addi %get3A_317, %shift_left3A_8 : vector<16xi32>
      %mul3A_319 = arith.constant 16 : i32
      %mul3A_320 = arith.muli %scan3A_311, %mul3A_319 : i32
      %swap3A_321 = arith.constant 0 : i32
      %swap3A_322 = arith.index_cast %swap3A_321 : i32 to index
      %swap3A_323 = arith.index_cast %mul3A_320 : i32 to index
      %swap3A_324 = tpu.vector_load %arg5[%swap3A_322, %swap3A_323] {strides = array<i32>} : memref<4x1024xi32, #tpu.memory_space<vmem>>, vector<16xi32>,
      tpu.vector_store %arg5[%swap3A_322, %swap3A_323], %add3A_318 {strides = array<i32>} : memref<4x1024xi32, #tpu.memory_space<vmem>>, vector<16xi32>,
    }
    %scan3A_20 = arith.constant 64 : i32
    %dma_start3A = arith.constant 0 : i32
    %dma_start3A_21 = arith.constant 0 : i32
    %dma_start3A_22 = arith.constant 0 : i32
    %dma_start3A_23 = arith.constant 0 : i32
    %dma_start3A_24 = tpu.memref_slice %arg6[%dma_start3A_21, %dma_start3A_22, %dma_start3A_23] : memref<4x1024x8xf32, #tpu.memory_space<vmem>> -> memref<1x1024x8xf32, #tpu.memory_space<vmem>>
    %dma_start3A_25 = tpu.memref_squeeze %dma_start3A_24 : memref<1x1024x8xf32, #tpu.memory_space<vmem>> -> memref<1024x8xf32, #tpu.memory_space<vmem>>
    %dma_start3A_26 = arith.constant 0 : i32
    %dma_start3A_27 = tpu.memref_slice %arg5[%dma_start3A, %dma_start3A_26] : memref<4x1024xi32, #tpu.memory_space<vmem>> -> memref<1x1024xi32, #tpu.memory_space<vmem>>
    %dma_start3A_28 = tpu.memref_squeeze %dma_start3A_27 : memref<1x1024xi32, #tpu.memory_space<vmem>> -> memref<1024xi32, #tpu.memory_space<vmem>>
    %dma_start3A_29 = arith.constant 0 : i32
    %dma_start3A_30 = arith.constant 0 : i32
    %dma_start3A_31 = tpu.memref_slice %arg8[%dma_start3A_29, %dma_start3A_30] : memref<131072x8xf32, #tpu.memory_space<vmem_shared>> -> memref<131072x8xf32, #tpu.memory_space<vmem_shared>>
    tpu.enqueue_indirect_dma source(%dma_start3A_31 : memref<131072x8xf32, #tpu.memory_space<vmem_shared>>) target(%dma_start3A_25 : memref<1024x8xf32, #tpu.memory_space<vmem>>) offsets(%dma_start3A_28 : memref<1024xi32, #tpu.memory_space<vmem>>) semaphore(%arg10 : memref<!tpu.dma_semaphore, #tpu.memory_space<semaphore_mem>>)
    %add3A_32 = arith.constant 1 : i32
    %add3A_33 = arith.addi %mul3A_2, %add3A_32 : i32
    %run_scoped3A_34 = arith.constant 1 : i32
    "tpu.region"() ({
      %run_scoped3A_208 = tpu.sem_alloc : memref<!tpu.dma_semaphore, #tpu.memory_space<semaphore_mem>>
      %dma_start3A_209 = arith.constant 0 : i32
      %dma_start3A_210 = tpu.memref_slice %arg5[%run_scoped3A_34, %dma_start3A_209] : memref<4x1024xi32, #tpu.memory_space<vmem>> -> memref<1x1024xi32, #tpu.memory_space<vmem>>
      %dma_start3A_211 = tpu.memref_squeeze %dma_start3A_210 : memref<1x1024xi32, #tpu.memory_space<vmem>> -> memref<1024xi32, #tpu.memory_space<vmem>>
      %dma_start3A_212 = arith.constant 0 : i32
      %dma_start3A_213 = tpu.memref_slice %arg3[%add3A_33, %dma_start3A_212] : memref<4096x1024xi32, #tpu.memory_space<hbm>> -> memref<1x1024xi32, #tpu.memory_space<hbm>>
      %dma_start3A_214 = tpu.memref_squeeze %dma_start3A_213 : memref<1x1024xi32, #tpu.memory_space<hbm>> -> memref<1024xi32, #tpu.memory_space<hbm>>
      %dma_start3A_215 = arith.constant 0 : i32
      %dma_start3A_216 = tpu.memref_slice %arg5[%run_scoped3A_34, %dma_start3A_215] : memref<4x1024xi32, #tpu.memory_space<vmem>> -> memref<1x1024xi32, #tpu.memory_space<vmem>>
      %dma_start3A_217 = tpu.memref_squeeze %dma_start3A_216 : memref<1x1024xi32, #tpu.memory_space<vmem>> -> memref<1024xi32, #tpu.memory_space<vmem>>
      %dma_start3A_218 = arith.constant 0 : i32
      %dma_start3A_219 = tpu.memref_slice %arg3[%add3A_33, %dma_start3A_218] : memref<4096x1024xi32, #tpu.memory_space<hbm>> -> memref<1x1024xi32, #tpu.memory_space<hbm>>
      %dma_start3A_220 = tpu.memref_squeeze %dma_start3A_219 : memref<1x1024xi32, #tpu.memory_space<hbm>> -> memref<1024xi32, #tpu.memory_space<hbm>>
      tpu.enqueue_dma source(%dma_start3A_220 : memref<1024xi32, #tpu.memory_space<hbm>>) target(%dma_start3A_217 : memref<1024xi32, #tpu.memory_space<vmem>>) target_semaphore(%run_scoped3A_208 : memref<!tpu.dma_semaphore, #tpu.memory_space<semaphore_mem>>)
      %dma_wait3A_221 = arith.constant 0 : i32
      %dma_wait3A_222 = tpu.memref_slice %arg5[%run_scoped3A_34, %dma_wait3A_221] : memref<4x1024xi32, #tpu.memory_space<vmem>> -> memref<1x1024xi32, #tpu.memory_space<vmem>>
      %dma_wait3A_223 = tpu.memref_squeeze %dma_wait3A_222 : memref<1x1024xi32, #tpu.memory_space<vmem>> -> memref<1024xi32, #tpu.memory_space<vmem>>
      %dma_wait3A_224 = arith.constant 0 : i32
      %dma_wait3A_225 = tpu.memref_slice %arg3[%add3A_33, %dma_wait3A_224] : memref<4096x1024xi32, #tpu.memory_space<hbm>> -> memref<1x1024xi32, #tpu.memory_space<hbm>>
      %dma_wait3A_226 = tpu.memref_squeeze %dma_wait3A_225 : memref<1x1024xi32, #tpu.memory_space<hbm>> -> memref<1024xi32, #tpu.memory_space<hbm>>
      %dma_wait3A_227 = arith.constant 0 : i32
      %dma_wait3A_228 = tpu.memref_slice %arg5[%run_scoped3A_34, %dma_wait3A_227] : memref<4x1024xi32, #tpu.memory_space<vmem>> -> memref<1x1024xi32, #tpu.memory_space<vmem>>
      %dma_wait3A_229 = tpu.memref_squeeze %dma_wait3A_228 : memref<1x1024xi32, #tpu.memory_space<vmem>> -> memref<1024xi32, #tpu.memory_space<vmem>>
      %dma_wait3A_230 = arith.constant 0 : i32
      %dma_wait3A_231 = tpu.memref_slice %arg3[%add3A_33, %dma_wait3A_230] : memref<4096x1024xi32, #tpu.memory_space<hbm>> -> memref<1x1024xi32, #tpu.memory_space<hbm>>
      %dma_wait3A_232 = tpu.memref_squeeze %dma_wait3A_231 : memref<1x1024xi32, #tpu.memory_space<hbm>> -> memref<1024xi32, #tpu.memory_space<hbm>>
      tpu.wait_dma2 semaphore(%run_scoped3A_208 : memref<!tpu.dma_semaphore, #tpu.memory_space<semaphore_mem>>) src(%dma_wait3A_232 : memref<1024xi32, #tpu.memory_space<hbm>>) dst(%dma_wait3A_229 : memref<1024xi32, #tpu.memory_space<vmem>>)
      tpu.yield
    }) : () -> ()
    %scan3A_35 = arith.constant 0 : i32
    %scan3A_36 = arith.constant 0 : i32
    %scan3A_37 = arith.constant 64 : i32
    %scan3A_38 = arith.addi %scan3A_36, %scan3A_37 : i32
    %scan3A_39 = arith.constant 8 : i32
    scf.for %scan3A_208 = %scan3A_36 to %scan3A_38 step %scan3A_39  : i32 {
      %mul3A_209 = arith.constant 16 : i32
      %mul3A_210 = arith.muli %scan3A_208, %mul3A_209 : i32
      %get3A = arith.constant 1 : i32
      %get3A_211 = arith.index_cast %get3A : i32 to index
      %get3A_212 = arith.index_cast %mul3A_210 : i32 to index
      %get3A_213 = tpu.vector_load %arg5[%get3A_211, %get3A_212] {strides = array<i32>} : memref<4x1024xi32, #tpu.memory_space<vmem>>, vector<16xi32>,
      %add3A_214 = arith.addi %get3A_213, %shift_left3A_8 : vector<16xi32>
      %mul3A_215 = arith.constant 16 : i32
      %mul3A_216 = arith.muli %scan3A_208, %mul3A_215 : i32
      %swap3A = arith.constant 1 : i32
      %swap3A_217 = arith.index_cast %swap3A : i32 to index
      %swap3A_218 = arith.index_cast %mul3A_216 : i32 to index
      %swap3A_219 = tpu.vector_load %arg5[%swap3A_217, %swap3A_218] {strides = array<i32>} : memref<4x1024xi32, #tpu.memory_space<vmem>>, vector<16xi32>,
      tpu.vector_store %arg5[%swap3A_217, %swap3A_218], %add3A_214 {strides = array<i32>} : memref<4x1024xi32, #tpu.memory_space<vmem>>, vector<16xi32>,
      %scan3A_220 = arith.constant 1 : i32
      %scan3A_221 = arith.addi %scan3A_208, %scan3A_220 : i32
      %mul3A_222 = arith.constant 16 : i32
      %mul3A_223 = arith.muli %scan3A_221, %mul3A_222 : i32
      %get3A_224 = arith.constant 1 : i32
      %get3A_225 = arith.index_cast %get3A_224 : i32 to index
      %get3A_226 = arith.index_cast %mul3A_223 : i32 to index
      %get3A_227 = tpu.vector_load %arg5[%get3A_225, %get3A_226] {strides = array<i32>} : memref<4x1024xi32, #tpu.memory_space<vmem>>, vector<16xi32>,
      %add3A_228 = arith.addi %get3A_227, %shift_left3A_8 : vector<16xi32>
      %mul3A_229 = arith.constant 16 : i32
      %mul3A_230 = arith.muli %scan3A_221, %mul3A_229 : i32
      %swap3A_231 = arith.constant 1 : i32
      %swap3A_232 = arith.index_cast %swap3A_231 : i32 to index
      %swap3A_233 = arith.index_cast %mul3A_230 : i32 to index
      %swap3A_234 = tpu.vector_load %arg5[%swap3A_232, %swap3A_233] {strides = array<i32>} : memref<4x1024xi32, #tpu.memory_space<vmem>>, vector<16xi32>,
      tpu.vector_store %arg5[%swap3A_232, %swap3A_233], %add3A_228 {strides = array<i32>} : memref<4x1024xi32, #tpu.memory_space<vmem>>, vector<16xi32>,
      %scan3A_235 = arith.constant 2 : i32
      %scan3A_236 = arith.addi %scan3A_208, %scan3A_235 : i32
      %mul3A_237 = arith.constant 16 : i32
      %mul3A_238 = arith.muli %scan3A_236, %mul3A_237 : i32
      %get3A_239 = arith.constant 1 : i32
      %get3A_240 = arith.index_cast %get3A_239 : i32 to index
      %get3A_241 = arith.index_cast %mul3A_238 : i32 to index
      %get3A_242 = tpu.vector_load %arg5[%get3A_240, %get3A_241] {strides = array<i32>} : memref<4x1024xi32, #tpu.memory_space<vmem>>, vector<16xi32>,
      %add3A_243 = arith.addi %get3A_242, %shift_left3A_8 : vector<16xi32>
      %mul3A_244 = arith.constant 16 : i32
      %mul3A_245 = arith.muli %scan3A_236, %mul3A_244 : i32
      %swap3A_246 = arith.constant 1 : i32
      %swap3A_247 = arith.index_cast %swap3A_246 : i32 to index
      %swap3A_248 = arith.index_cast %mul3A_245 : i32 to index
      %swap3A_249 = tpu.vector_load %arg5[%swap3A_247, %swap3A_248] {strides = array<i32>} : memref<4x1024xi32, #tpu.memory_space<vmem>>, vector<16xi32>,
      tpu.vector_store %arg5[%swap3A_247, %swap3A_248], %add3A_243 {strides = array<i32>} : memref<4x1024xi32, #tpu.memory_space<vmem>>, vector<16xi32>,
      %scan3A_250 = arith.constant 3 : i32
      %scan3A_251 = arith.addi %scan3A_208, %scan3A_250 : i32
      %mul3A_252 = arith.constant 16 : i32
      %mul3A_253 = arith.muli %scan3A_251, %mul3A_252 : i32
      %get3A_254 = arith.constant 1 : i32
      %get3A_255 = arith.index_cast %get3A_254 : i32 to index
      %get3A_256 = arith.index_cast %mul3A_253 : i32 to index
      %get3A_257 = tpu.vector_load %arg5[%get3A_255, %get3A_256] {strides = array<i32>} : memref<4x1024xi32, #tpu.memory_space<vmem>>, vector<16xi32>,
      %add3A_258 = arith.addi %get3A_257, %shift_left3A_8 : vector<16xi32>
      %mul3A_259 = arith.constant 16 : i32
      %mul3A_260 = arith.muli %scan3A_251, %mul3A_259 : i32
      %swap3A_261 = arith.constant 1 : i32
      %swap3A_262 = arith.index_cast %swap3A_261 : i32 to index
      %swap3A_263 = arith.index_cast %mul3A_260 : i32 to index
      %swap3A_264 = tpu.vector_load %arg5[%swap3A_262, %swap3A_263] {strides = array<i32>} : memref<4x1024xi32, #tpu.memory_space<vmem>>, vector<16xi32>,
      tpu.vector_store %arg5[%swap3A_262, %swap3A_263], %add3A_258 {strides = array<i32>} : memref<4x1024xi32, #tpu.memory_space<vmem>>, vector<16xi32>,
      %scan3A_265 = arith.constant 4 : i32
      %scan3A_266 = arith.addi %scan3A_208, %scan3A_265 : i32
      %mul3A_267 = arith.constant 16 : i32
      %mul3A_268 = arith.muli %scan3A_266, %mul3A_267 : i32
      %get3A_269 = arith.constant 1 : i32
      %get3A_270 = arith.index_cast %get3A_269 : i32 to index
      %get3A_271 = arith.index_cast %mul3A_268 : i32 to index
      %get3A_272 = tpu.vector_load %arg5[%get3A_270, %get3A_271] {strides = array<i32>} : memref<4x1024xi32, #tpu.memory_space<vmem>>, vector<16xi32>,
      %add3A_273 = arith.addi %get3A_272, %shift_left3A_8 : vector<16xi32>
      %mul3A_274 = arith.constant 16 : i32
      %mul3A_275 = arith.muli %scan3A_266, %mul3A_274 : i32
      %swap3A_276 = arith.constant 1 : i32
      %swap3A_277 = arith.index_cast %swap3A_276 : i32 to index
      %swap3A_278 = arith.index_cast %mul3A_275 : i32 to index
      %swap3A_279 = tpu.vector_load %arg5[%swap3A_277, %swap3A_278] {strides = array<i32>} : memref<4x1024xi32, #tpu.memory_space<vmem>>, vector<16xi32>,
      tpu.vector_store %arg5[%swap3A_277, %swap3A_278], %add3A_273 {strides = array<i32>} : memref<4x1024xi32, #tpu.memory_space<vmem>>, vector<16xi32>,
      %scan3A_280 = arith.constant 5 : i32
      %scan3A_281 = arith.addi %scan3A_208, %scan3A_280 : i32
      %mul3A_282 = arith.constant 16 : i32
      %mul3A_283 = arith.muli %scan3A_281, %mul3A_282 : i32
      %get3A_284 = arith.constant 1 : i32
      %get3A_285 = arith.index_cast %get3A_284 : i32 to index
      %get3A_286 = arith.index_cast %mul3A_283 : i32 to index
      %get3A_287 = tpu.vector_load %arg5[%get3A_285, %get3A_286] {strides = array<i32>} : memref<4x1024xi32, #tpu.memory_space<vmem>>, vector<16xi32>,
      %add3A_288 = arith.addi %get3A_287, %shift_left3A_8 : vector<16xi32>
      %mul3A_289 = arith.constant 16 : i32
      %mul3A_290 = arith.muli %scan3A_281, %mul3A_289 : i32
      %swap3A_291 = arith.constant 1 : i32
      %swap3A_292 = arith.index_cast %swap3A_291 : i32 to index
      %swap3A_293 = arith.index_cast %mul3A_290 : i32 to index
      %swap3A_294 = tpu.vector_load %arg5[%swap3A_292, %swap3A_293] {strides = array<i32>} : memref<4x1024xi32, #tpu.memory_space<vmem>>, vector<16xi32>,
      tpu.vector_store %arg5[%swap3A_292, %swap3A_293], %add3A_288 {strides = array<i32>} : memref<4x1024xi32, #tpu.memory_space<vmem>>, vector<16xi32>,
      %scan3A_295 = arith.constant 6 : i32
      %scan3A_296 = arith.addi %scan3A_208, %scan3A_295 : i32
      %mul3A_297 = arith.constant 16 : i32
      %mul3A_298 = arith.muli %scan3A_296, %mul3A_297 : i32
      %get3A_299 = arith.constant 1 : i32
      %get3A_300 = arith.index_cast %get3A_299 : i32 to index
      %get3A_301 = arith.index_cast %mul3A_298 : i32 to index
      %get3A_302 = tpu.vector_load %arg5[%get3A_300, %get3A_301] {strides = array<i32>} : memref<4x1024xi32, #tpu.memory_space<vmem>>, vector<16xi32>,
      %add3A_303 = arith.addi %get3A_302, %shift_left3A_8 : vector<16xi32>
      %mul3A_304 = arith.constant 16 : i32
      %mul3A_305 = arith.muli %scan3A_296, %mul3A_304 : i32
      %swap3A_306 = arith.constant 1 : i32
      %swap3A_307 = arith.index_cast %swap3A_306 : i32 to index
      %swap3A_308 = arith.index_cast %mul3A_305 : i32 to index
      %swap3A_309 = tpu.vector_load %arg5[%swap3A_307, %swap3A_308] {strides = array<i32>} : memref<4x1024xi32, #tpu.memory_space<vmem>>, vector<16xi32>,
      tpu.vector_store %arg5[%swap3A_307, %swap3A_308], %add3A_303 {strides = array<i32>} : memref<4x1024xi32, #tpu.memory_space<vmem>>, vector<16xi32>,
      %scan3A_310 = arith.constant 7 : i32
      %scan3A_311 = arith.addi %scan3A_208, %scan3A_310 : i32
      %mul3A_312 = arith.constant 16 : i32
      %mul3A_313 = arith.muli %scan3A_311, %mul3A_312 : i32
      %get3A_314 = arith.constant 1 : i32
      %get3A_315 = arith.index_cast %get3A_314 : i32 to index
      %get3A_316 = arith.index_cast %mul3A_313 : i32 to index
      %get3A_317 = tpu.vector_load %arg5[%get3A_315, %get3A_316] {strides = array<i32>} : memref<4x1024xi32, #tpu.memory_space<vmem>>, vector<16xi32>,
      %add3A_318 = arith.addi %get3A_317, %shift_left3A_8 : vector<16xi32>
      %mul3A_319 = arith.constant 16 : i32
      %mul3A_320 = arith.muli %scan3A_311, %mul3A_319 : i32
      %swap3A_321 = arith.constant 1 : i32
      %swap3A_322 = arith.index_cast %swap3A_321 : i32 to index
      %swap3A_323 = arith.index_cast %mul3A_320 : i32 to index
      %swap3A_324 = tpu.vector_load %arg5[%swap3A_322, %swap3A_323] {strides = array<i32>} : memref<4x1024xi32, #tpu.memory_space<vmem>>, vector<16xi32>,
      tpu.vector_store %arg5[%swap3A_322, %swap3A_323], %add3A_318 {strides = array<i32>} : memref<4x1024xi32, #tpu.memory_space<vmem>>, vector<16xi32>,
    }
    %scan3A_40 = arith.constant 64 : i32
    %dma_start3A_41 = arith.constant 1 : i32
    %dma_start3A_42 = arith.constant 1 : i32
    %dma_start3A_43 = arith.constant 0 : i32
    %dma_start3A_44 = arith.constant 0 : i32
    %dma_start3A_45 = tpu.memref_slice %arg6[%dma_start3A_42, %dma_start3A_43, %dma_start3A_44] : memref<4x1024x8xf32, #tpu.memory_space<vmem>> -> memref<1x1024x8xf32, #tpu.memory_space<vmem>>
    %dma_start3A_46 = tpu.memref_squeeze %dma_start3A_45 : memref<1x1024x8xf32, #tpu.memory_space<vmem>> -> memref<1024x8xf32, #tpu.memory_space<vmem>>
    %dma_start3A_47 = arith.constant 0 : i32
    %dma_start3A_48 = tpu.memref_slice %arg5[%dma_start3A_41, %dma_start3A_47] : memref<4x1024xi32, #tpu.memory_space<vmem>> -> memref<1x1024xi32, #tpu.memory_space<vmem>>
    %dma_start3A_49 = tpu.memref_squeeze %dma_start3A_48 : memref<1x1024xi32, #tpu.memory_space<vmem>> -> memref<1024xi32, #tpu.memory_space<vmem>>
    %dma_start3A_50 = arith.constant 0 : i32
    %dma_start3A_51 = arith.constant 0 : i32
    %dma_start3A_52 = tpu.memref_slice %arg8[%dma_start3A_50, %dma_start3A_51] : memref<131072x8xf32, #tpu.memory_space<vmem_shared>> -> memref<131072x8xf32, #tpu.memory_space<vmem_shared>>
    tpu.enqueue_indirect_dma source(%dma_start3A_52 : memref<131072x8xf32, #tpu.memory_space<vmem_shared>>) target(%dma_start3A_46 : memref<1024x8xf32, #tpu.memory_space<vmem>>) offsets(%dma_start3A_49 : memref<1024xi32, #tpu.memory_space<vmem>>) semaphore(%arg10 : memref<!tpu.dma_semaphore, #tpu.memory_space<semaphore_mem>>)
    %add3A_53 = arith.constant 2 : i32
    %add3A_54 = arith.addi %mul3A_2, %add3A_53 : i32
    %run_scoped3A_55 = arith.constant 2 : i32
    "tpu.region"() ({
      %run_scoped3A_208 = tpu.sem_alloc : memref<!tpu.dma_semaphore, #tpu.memory_space<semaphore_mem>>
      %dma_start3A_209 = arith.constant 0 : i32
      %dma_start3A_210 = tpu.memref_slice %arg5[%run_scoped3A_55, %dma_start3A_209] : memref<4x1024xi32, #tpu.memory_space<vmem>> -> memref<1x1024xi32, #tpu.memory_space<vmem>>
      %dma_start3A_211 = tpu.memref_squeeze %dma_start3A_210 : memref<1x1024xi32, #tpu.memory_space<vmem>> -> memref<1024xi32, #tpu.memory_space<vmem>>
      %dma_start3A_212 = arith.constant 0 : i32
      %dma_start3A_213 = tpu.memref_slice %arg3[%add3A_54, %dma_start3A_212] : memref<4096x1024xi32, #tpu.memory_space<hbm>> -> memref<1x1024xi32, #tpu.memory_space<hbm>>
      %dma_start3A_214 = tpu.memref_squeeze %dma_start3A_213 : memref<1x1024xi32, #tpu.memory_space<hbm>> -> memref<1024xi32, #tpu.memory_space<hbm>>
      %dma_start3A_215 = arith.constant 0 : i32
      %dma_start3A_216 = tpu.memref_slice %arg5[%run_scoped3A_55, %dma_start3A_215] : memref<4x1024xi32, #tpu.memory_space<vmem>> -> memref<1x1024xi32, #tpu.memory_space<vmem>>
      %dma_start3A_217 = tpu.memref_squeeze %dma_start3A_216 : memref<1x1024xi32, #tpu.memory_space<vmem>> -> memref<1024xi32, #tpu.memory_space<vmem>>
      %dma_start3A_218 = arith.constant 0 : i32
      %dma_start3A_219 = tpu.memref_slice %arg3[%add3A_54, %dma_start3A_218] : memref<4096x1024xi32, #tpu.memory_space<hbm>> -> memref<1x1024xi32, #tpu.memory_space<hbm>>
      %dma_start3A_220 = tpu.memref_squeeze %dma_start3A_219 : memref<1x1024xi32, #tpu.memory_space<hbm>> -> memref<1024xi32, #tpu.memory_space<hbm>>
      tpu.enqueue_dma source(%dma_start3A_220 : memref<1024xi32, #tpu.memory_space<hbm>>) target(%dma_start3A_217 : memref<1024xi32, #tpu.memory_space<vmem>>) target_semaphore(%run_scoped3A_208 : memref<!tpu.dma_semaphore, #tpu.memory_space<semaphore_mem>>)
      %dma_wait3A_221 = arith.constant 0 : i32
      %dma_wait3A_222 = tpu.memref_slice %arg5[%run_scoped3A_55, %dma_wait3A_221] : memref<4x1024xi32, #tpu.memory_space<vmem>> -> memref<1x1024xi32, #tpu.memory_space<vmem>>
      %dma_wait3A_223 = tpu.memref_squeeze %dma_wait3A_222 : memref<1x1024xi32, #tpu.memory_space<vmem>> -> memref<1024xi32, #tpu.memory_space<vmem>>
      %dma_wait3A_224 = arith.constant 0 : i32
      %dma_wait3A_225 = tpu.memref_slice %arg3[%add3A_54, %dma_wait3A_224] : memref<4096x1024xi32, #tpu.memory_space<hbm>> -> memref<1x1024xi32, #tpu.memory_space<hbm>>
      %dma_wait3A_226 = tpu.memref_squeeze %dma_wait3A_225 : memref<1x1024xi32, #tpu.memory_space<hbm>> -> memref<1024xi32, #tpu.memory_space<hbm>>
      %dma_wait3A_227 = arith.constant 0 : i32
      %dma_wait3A_228 = tpu.memref_slice %arg5[%run_scoped3A_55, %dma_wait3A_227] : memref<4x1024xi32, #tpu.memory_space<vmem>> -> memref<1x1024xi32, #tpu.memory_space<vmem>>
      %dma_wait3A_229 = tpu.memref_squeeze %dma_wait3A_228 : memref<1x1024xi32, #tpu.memory_space<vmem>> -> memref<1024xi32, #tpu.memory_space<vmem>>
      %dma_wait3A_230 = arith.constant 0 : i32
      %dma_wait3A_231 = tpu.memref_slice %arg3[%add3A_54, %dma_wait3A_230] : memref<4096x1024xi32, #tpu.memory_space<hbm>> -> memref<1x1024xi32, #tpu.memory_space<hbm>>
      %dma_wait3A_232 = tpu.memref_squeeze %dma_wait3A_231 : memref<1x1024xi32, #tpu.memory_space<hbm>> -> memref<1024xi32, #tpu.memory_space<hbm>>
      tpu.wait_dma2 semaphore(%run_scoped3A_208 : memref<!tpu.dma_semaphore, #tpu.memory_space<semaphore_mem>>) src(%dma_wait3A_232 : memref<1024xi32, #tpu.memory_space<hbm>>) dst(%dma_wait3A_229 : memref<1024xi32, #tpu.memory_space<vmem>>)
      tpu.yield
    }) : () -> ()
    %scan3A_56 = arith.constant 0 : i32
    %scan3A_57 = arith.constant 0 : i32
    %scan3A_58 = arith.constant 64 : i32
    %scan3A_59 = arith.addi %scan3A_57, %scan3A_58 : i32
    %scan3A_60 = arith.constant 8 : i32
    scf.for %scan3A_208 = %scan3A_57 to %scan3A_59 step %scan3A_60  : i32 {
      %mul3A_209 = arith.constant 16 : i32
      %mul3A_210 = arith.muli %scan3A_208, %mul3A_209 : i32
      %get3A = arith.constant 2 : i32
      %get3A_211 = arith.index_cast %get3A : i32 to index
      %get3A_212 = arith.index_cast %mul3A_210 : i32 to index
      %get3A_213 = tpu.vector_load %arg5[%get3A_211, %get3A_212] {strides = array<i32>} : memref<4x1024xi32, #tpu.memory_space<vmem>>, vector<16xi32>,
      %add3A_214 = arith.addi %get3A_213, %shift_left3A_8 : vector<16xi32>
      %mul3A_215 = arith.constant 16 : i32
      %mul3A_216 = arith.muli %scan3A_208, %mul3A_215 : i32
      %swap3A = arith.constant 2 : i32
      %swap3A_217 = arith.index_cast %swap3A : i32 to index
      %swap3A_218 = arith.index_cast %mul3A_216 : i32 to index
      %swap3A_219 = tpu.vector_load %arg5[%swap3A_217, %swap3A_218] {strides = array<i32>} : memref<4x1024xi32, #tpu.memory_space<vmem>>, vector<16xi32>,
      tpu.vector_store %arg5[%swap3A_217, %swap3A_218], %add3A_214 {strides = array<i32>} : memref<4x1024xi32, #tpu.memory_space<vmem>>, vector<16xi32>,
      %scan3A_220 = arith.constant 1 : i32
      %scan3A_221 = arith.addi %scan3A_208, %scan3A_220 : i32
      %mul3A_222 = arith.constant 16 : i32
      %mul3A_223 = arith.muli %scan3A_221, %mul3A_222 : i32
      %get3A_224 = arith.constant 2 : i32
      %get3A_225 = arith.index_cast %get3A_224 : i32 to index
      %get3A_226 = arith.index_cast %mul3A_223 : i32 to index
      %get3A_227 = tpu.vector_load %arg5[%get3A_225, %get3A_226] {strides = array<i32>} : memref<4x1024xi32, #tpu.memory_space<vmem>>, vector<16xi32>,
      %add3A_228 = arith.addi %get3A_227, %shift_left3A_8 : vector<16xi32>
      %mul3A_229 = arith.constant 16 : i32
      %mul3A_230 = arith.muli %scan3A_221, %mul3A_229 : i32
      %swap3A_231 = arith.constant 2 : i32
      %swap3A_232 = arith.index_cast %swap3A_231 : i32 to index
      %swap3A_233 = arith.index_cast %mul3A_230 : i32 to index
      %swap3A_234 = tpu.vector_load %arg5[%swap3A_232, %swap3A_233] {strides = array<i32>} : memref<4x1024xi32, #tpu.memory_space<vmem>>, vector<16xi32>,
      tpu.vector_store %arg5[%swap3A_232, %swap3A_233], %add3A_228 {strides = array<i32>} : memref<4x1024xi32, #tpu.memory_space<vmem>>, vector<16xi32>,
      %scan3A_235 = arith.constant 2 : i32
      %scan3A_236 = arith.addi %scan3A_208, %scan3A_235 : i32
      %mul3A_237 = arith.constant 16 : i32
      %mul3A_238 = arith.muli %scan3A_236, %mul3A_237 : i32
      %get3A_239 = arith.constant 2 : i32
      %get3A_240 = arith.index_cast %get3A_239 : i32 to index
      %get3A_241 = arith.index_cast %mul3A_238 : i32 to index
      %get3A_242 = tpu.vector_load %arg5[%get3A_240, %get3A_241] {strides = array<i32>} : memref<4x1024xi32, #tpu.memory_space<vmem>>, vector<16xi32>,
      %add3A_243 = arith.addi %get3A_242, %shift_left3A_8 : vector<16xi32>
      %mul3A_244 = arith.constant 16 : i32
      %mul3A_245 = arith.muli %scan3A_236, %mul3A_244 : i32
      %swap3A_246 = arith.constant 2 : i32
      %swap3A_247 = arith.index_cast %swap3A_246 : i32 to index
      %swap3A_248 = arith.index_cast %mul3A_245 : i32 to index
      %swap3A_249 = tpu.vector_load %arg5[%swap3A_247, %swap3A_248] {strides = array<i32>} : memref<4x1024xi32, #tpu.memory_space<vmem>>, vector<16xi32>,
      tpu.vector_store %arg5[%swap3A_247, %swap3A_248], %add3A_243 {strides = array<i32>} : memref<4x1024xi32, #tpu.memory_space<vmem>>, vector<16xi32>,
      %scan3A_250 = arith.constant 3 : i32
      %scan3A_251 = arith.addi %scan3A_208, %scan3A_250 : i32
      %mul3A_252 = arith.constant 16 : i32
      %mul3A_253 = arith.muli %scan3A_251, %mul3A_252 : i32
      %get3A_254 = arith.constant 2 : i32
      %get3A_255 = arith.index_cast %get3A_254 : i32 to index
      %get3A_256 = arith.index_cast %mul3A_253 : i32 to index
      %get3A_257 = tpu.vector_load %arg5[%get3A_255, %get3A_256] {strides = array<i32>} : memref<4x1024xi32, #tpu.memory_space<vmem>>, vector<16xi32>,
      %add3A_258 = arith.addi %get3A_257, %shift_left3A_8 : vector<16xi32>
      %mul3A_259 = arith.constant 16 : i32
      %mul3A_260 = arith.muli %scan3A_251, %mul3A_259 : i32
      %swap3A_261 = arith.constant 2 : i32
      %swap3A_262 = arith.index_cast %swap3A_261 : i32 to index
      %swap3A_263 = arith.index_cast %mul3A_260 : i32 to index
      %swap3A_264 = tpu.vector_load %arg5[%swap3A_262, %swap3A_263] {strides = array<i32>} : memref<4x1024xi32, #tpu.memory_space<vmem>>, vector<16xi32>,
      tpu.vector_store %arg5[%swap3A_262, %swap3A_263], %add3A_258 {strides = array<i32>} : memref<4x1024xi32, #tpu.memory_space<vmem>>, vector<16xi32>,
      %scan3A_265 = arith.constant 4 : i32
      %scan3A_266 = arith.addi %scan3A_208, %scan3A_265 : i32
      %mul3A_267 = arith.constant 16 : i32
      %mul3A_268 = arith.muli %scan3A_266, %mul3A_267 : i32
      %get3A_269 = arith.constant 2 : i32
      %get3A_270 = arith.index_cast %get3A_269 : i32 to index
      %get3A_271 = arith.index_cast %mul3A_268 : i32 to index
      %get3A_272 = tpu.vector_load %arg5[%get3A_270, %get3A_271] {strides = array<i32>} : memref<4x1024xi32, #tpu.memory_space<vmem>>, vector<16xi32>,
      %add3A_273 = arith.addi %get3A_272, %shift_left3A_8 : vector<16xi32>
      %mul3A_274 = arith.constant 16 : i32
      %mul3A_275 = arith.muli %scan3A_266, %mul3A_274 : i32
      %swap3A_276 = arith.constant 2 : i32
      %swap3A_277 = arith.index_cast %swap3A_276 : i32 to index
      %swap3A_278 = arith.index_cast %mul3A_275 : i32 to index
      %swap3A_279 = tpu.vector_load %arg5[%swap3A_277, %swap3A_278] {strides = array<i32>} : memref<4x1024xi32, #tpu.memory_space<vmem>>, vector<16xi32>,
      tpu.vector_store %arg5[%swap3A_277, %swap3A_278], %add3A_273 {strides = array<i32>} : memref<4x1024xi32, #tpu.memory_space<vmem>>, vector<16xi32>,
      %scan3A_280 = arith.constant 5 : i32
      %scan3A_281 = arith.addi %scan3A_208, %scan3A_280 : i32
      %mul3A_282 = arith.constant 16 : i32
      %mul3A_283 = arith.muli %scan3A_281, %mul3A_282 : i32
      %get3A_284 = arith.constant 2 : i32
      %get3A_285 = arith.index_cast %get3A_284 : i32 to index
      %get3A_286 = arith.index_cast %mul3A_283 : i32 to index
      %get3A_287 = tpu.vector_load %arg5[%get3A_285, %get3A_286] {strides = array<i32>} : memref<4x1024xi32, #tpu.memory_space<vmem>>, vector<16xi32>,
      %add3A_288 = arith.addi %get3A_287, %shift_left3A_8 : vector<16xi32>
      %mul3A_289 = arith.constant 16 : i32
      %mul3A_290 = arith.muli %scan3A_281, %mul3A_289 : i32
      %swap3A_291 = arith.constant 2 : i32
      %swap3A_292 = arith.index_cast %swap3A_291 : i32 to index
      %swap3A_293 = arith.index_cast %mul3A_290 : i32 to index
      %swap3A_294 = tpu.vector_load %arg5[%swap3A_292, %swap3A_293] {strides = array<i32>} : memref<4x1024xi32, #tpu.memory_space<vmem>>, vector<16xi32>,
      tpu.vector_store %arg5[%swap3A_292, %swap3A_293], %add3A_288 {strides = array<i32>} : memref<4x1024xi32, #tpu.memory_space<vmem>>, vector<16xi32>,
      %scan3A_295 = arith.constant 6 : i32
      %scan3A_296 = arith.addi %scan3A_208, %scan3A_295 : i32
      %mul3A_297 = arith.constant 16 : i32
      %mul3A_298 = arith.muli %scan3A_296, %mul3A_297 : i32
      %get3A_299 = arith.constant 2 : i32
      %get3A_300 = arith.index_cast %get3A_299 : i32 to index
      %get3A_301 = arith.index_cast %mul3A_298 : i32 to index
      %get3A_302 = tpu.vector_load %arg5[%get3A_300, %get3A_301] {strides = array<i32>} : memref<4x1024xi32, #tpu.memory_space<vmem>>, vector<16xi32>,
      %add3A_303 = arith.addi %get3A_302, %shift_left3A_8 : vector<16xi32>
      %mul3A_304 = arith.constant 16 : i32
      %mul3A_305 = arith.muli %scan3A_296, %mul3A_304 : i32
      %swap3A_306 = arith.constant 2 : i32
      %swap3A_307 = arith.index_cast %swap3A_306 : i32 to index
      %swap3A_308 = arith.index_cast %mul3A_305 : i32 to index
      %swap3A_309 = tpu.vector_load %arg5[%swap3A_307, %swap3A_308] {strides = array<i32>} : memref<4x1024xi32, #tpu.memory_space<vmem>>, vector<16xi32>,
      tpu.vector_store %arg5[%swap3A_307, %swap3A_308], %add3A_303 {strides = array<i32>} : memref<4x1024xi32, #tpu.memory_space<vmem>>, vector<16xi32>,
      %scan3A_310 = arith.constant 7 : i32
      %scan3A_311 = arith.addi %scan3A_208, %scan3A_310 : i32
      %mul3A_312 = arith.constant 16 : i32
      %mul3A_313 = arith.muli %scan3A_311, %mul3A_312 : i32
      %get3A_314 = arith.constant 2 : i32
      %get3A_315 = arith.index_cast %get3A_314 : i32 to index
      %get3A_316 = arith.index_cast %mul3A_313 : i32 to index
      %get3A_317 = tpu.vector_load %arg5[%get3A_315, %get3A_316] {strides = array<i32>} : memref<4x1024xi32, #tpu.memory_space<vmem>>, vector<16xi32>,
      %add3A_318 = arith.addi %get3A_317, %shift_left3A_8 : vector<16xi32>
      %mul3A_319 = arith.constant 16 : i32
      %mul3A_320 = arith.muli %scan3A_311, %mul3A_319 : i32
      %swap3A_321 = arith.constant 2 : i32
      %swap3A_322 = arith.index_cast %swap3A_321 : i32 to index
      %swap3A_323 = arith.index_cast %mul3A_320 : i32 to index
      %swap3A_324 = tpu.vector_load %arg5[%swap3A_322, %swap3A_323] {strides = array<i32>} : memref<4x1024xi32, #tpu.memory_space<vmem>>, vector<16xi32>,
      tpu.vector_store %arg5[%swap3A_322, %swap3A_323], %add3A_318 {strides = array<i32>} : memref<4x1024xi32, #tpu.memory_space<vmem>>, vector<16xi32>,
    }
    %scan3A_61 = arith.constant 64 : i32
    %dma_start3A_62 = arith.constant 2 : i32
    %dma_start3A_63 = arith.constant 2 : i32
    %dma_start3A_64 = arith.constant 0 : i32
    %dma_start3A_65 = arith.constant 0 : i32
    %dma_start3A_66 = tpu.memref_slice %arg6[%dma_start3A_63, %dma_start3A_64, %dma_start3A_65] : memref<4x1024x8xf32, #tpu.memory_space<vmem>> -> memref<1x1024x8xf32, #tpu.memory_space<vmem>>
    %dma_start3A_67 = tpu.memref_squeeze %dma_start3A_66 : memref<1x1024x8xf32, #tpu.memory_space<vmem>> -> memref<1024x8xf32, #tpu.memory_space<vmem>>
    %dma_start3A_68 = arith.constant 0 : i32
    %dma_start3A_69 = tpu.memref_slice %arg5[%dma_start3A_62, %dma_start3A_68] : memref<4x1024xi32, #tpu.memory_space<vmem>> -> memref<1x1024xi32, #tpu.memory_space<vmem>>
    %dma_start3A_70 = tpu.memref_squeeze %dma_start3A_69 : memref<1x1024xi32, #tpu.memory_space<vmem>> -> memref<1024xi32, #tpu.memory_space<vmem>>
    %dma_start3A_71 = arith.constant 0 : i32
    %dma_start3A_72 = arith.constant 0 : i32
    %dma_start3A_73 = tpu.memref_slice %arg8[%dma_start3A_71, %dma_start3A_72] : memref<131072x8xf32, #tpu.memory_space<vmem_shared>> -> memref<131072x8xf32, #tpu.memory_space<vmem_shared>>
    tpu.enqueue_indirect_dma source(%dma_start3A_73 : memref<131072x8xf32, #tpu.memory_space<vmem_shared>>) target(%dma_start3A_67 : memref<1024x8xf32, #tpu.memory_space<vmem>>) offsets(%dma_start3A_70 : memref<1024xi32, #tpu.memory_space<vmem>>) semaphore(%arg10 : memref<!tpu.dma_semaphore, #tpu.memory_space<semaphore_mem>>)
    %add3A_74 = arith.constant 3 : i32
    %add3A_75 = arith.addi %mul3A_2, %add3A_74 : i32
    %dma_start3A_76 = arith.constant 3 : i32
    %dma_start3A_77 = arith.constant 0 : i32
    %dma_start3A_78 = tpu.memref_slice %arg5[%dma_start3A_76, %dma_start3A_77] : memref<4x1024xi32, #tpu.memory_space<vmem>> -> memref<1x1024xi32, #tpu.memory_space<vmem>>
    %dma_start3A_79 = tpu.memref_squeeze %dma_start3A_78 : memref<1x1024xi32, #tpu.memory_space<vmem>> -> memref<1024xi32, #tpu.memory_space<vmem>>
    %dma_start3A_80 = arith.constant 0 : i32
    %dma_start3A_81 = tpu.memref_slice %arg3[%add3A_75, %dma_start3A_80] : memref<4096x1024xi32, #tpu.memory_space<hbm>> -> memref<1x1024xi32, #tpu.memory_space<hbm>>
    %dma_start3A_82 = tpu.memref_squeeze %dma_start3A_81 : memref<1x1024xi32, #tpu.memory_space<hbm>> -> memref<1024xi32, #tpu.memory_space<hbm>>
    %dma_start3A_83 = arith.constant 0 : i32
    %dma_start3A_84 = tpu.memref_slice %arg5[%dma_start3A_76, %dma_start3A_83] : memref<4x1024xi32, #tpu.memory_space<vmem>> -> memref<1x1024xi32, #tpu.memory_space<vmem>>
    %dma_start3A_85 = tpu.memref_squeeze %dma_start3A_84 : memref<1x1024xi32, #tpu.memory_space<vmem>> -> memref<1024xi32, #tpu.memory_space<vmem>>
    %dma_start3A_86 = arith.constant 0 : i32
    %dma_start3A_87 = tpu.memref_slice %arg3[%add3A_75, %dma_start3A_86] : memref<4096x1024xi32, #tpu.memory_space<hbm>> -> memref<1x1024xi32, #tpu.memory_space<hbm>>
    %dma_start3A_88 = tpu.memref_squeeze %dma_start3A_87 : memref<1x1024xi32, #tpu.memory_space<hbm>> -> memref<1024xi32, #tpu.memory_space<hbm>>
    tpu.enqueue_dma source(%dma_start3A_88 : memref<1024xi32, #tpu.memory_space<hbm>>) target(%dma_start3A_85 : memref<1024xi32, #tpu.memory_space<vmem>>) target_semaphore(%arg9 : memref<!tpu.dma_semaphore, #tpu.memory_space<semaphore_mem>>)
    %scan3A_89 = arith.constant 0 : i32
    %scan3A_90 = arith.constant 0 : i32
    %scan3A_91 = arith.constant 128 : i32
    %scan3A_92 = arith.addi %scan3A_90, %scan3A_91 : i32
    %scan3A_93 = arith.constant 1 : i32
    scf.for %scan3A_208 = %scan3A_90 to %scan3A_92 step %scan3A_93  : i32 {
      %add3A_209 = arith.addi %mul3A_2, %scan3A_208 : i32
      %and3A_210 = arith.constant 3 : i32
      %and3A_211 = arith.andi %scan3A_208, %and3A_210 : i32
      %add3A_212 = arith.constant 3 : i32
      %add3A_213 = arith.addi %scan3A_208, %add3A_212 : i32
      %and3A_214 = arith.constant 3 : i32
      %and3A_215 = arith.andi %add3A_213, %and3A_214 : i32
      %and3A_216 = arith.constant 1 : i32
      %and3A_217 = arith.andi %scan3A_208, %and3A_216 : i32
      %dma_wait3A_218 = arith.constant 0 : i32
      %dma_wait3A_219 = arith.constant 0 : i32
      %dma_wait3A_220 = tpu.memref_slice %arg6[%and3A_211, %dma_wait3A_218, %dma_wait3A_219] : memref<4x1024x8xf32, #tpu.memory_space<vmem>> -> memref<1x1024x8xf32, #tpu.memory_space<vmem>>
      %dma_wait3A_221 = tpu.memref_squeeze %dma_wait3A_220 : memref<1x1024x8xf32, #tpu.memory_space<vmem>> -> memref<1024x8xf32, #tpu.memory_space<vmem>>
      %dma_wait3A_222 = arith.constant 0 : i32
      %dma_wait3A_223 = tpu.memref_slice %arg5[%and3A_211, %dma_wait3A_222] : memref<4x1024xi32, #tpu.memory_space<vmem>> -> memref<1x1024xi32, #tpu.memory_space<vmem>>
      %dma_wait3A_224 = tpu.memref_squeeze %dma_wait3A_223 : memref<1x1024xi32, #tpu.memory_space<vmem>> -> memref<1024xi32, #tpu.memory_space<vmem>>
      %dma_wait3A_225 = arith.constant 0 : i32
      %dma_wait3A_226 = arith.constant 0 : i32
      %dma_wait3A_227 = tpu.memref_slice %arg8[%dma_wait3A_225, %dma_wait3A_226] : memref<131072x8xf32, #tpu.memory_space<vmem_shared>> -> memref<131072x8xf32, #tpu.memory_space<vmem_shared>>
      tpu.wait_indirect_dma semaphore(%arg10 : memref<!tpu.dma_semaphore, #tpu.memory_space<semaphore_mem>>) src(%dma_wait3A_227 : memref<131072x8xf32, #tpu.memory_space<vmem_shared>>) dst(%dma_wait3A_221 : memref<1024x8xf32, #tpu.memory_space<vmem>>)
      %add3A_228 = arith.constant 4 : i32
      %add3A_229 = arith.addi %scan3A_208, %add3A_228 : i32
      %lt3A_230 = arith.constant 128 : i32
      %lt3A_231 = arith.cmpi slt, %add3A_229, %lt3A_230 : i32
      %convert_element_type3A_232 = arith.extui %lt3A_231 : i1 to i32
      %cond3A_233 = arith.constant 0 : i32
      %cond3A_234 = arith.cmpi ne, %convert_element_type3A_232, %cond3A_233 : i32
      scf.if %cond3A_234 {
        %add3A_313 = arith.constant 4 : i32
        %add3A_314 = arith.addi %add3A_209, %add3A_313 : i32
        %dma_start3A_315 = arith.constant 0 : i32
        %dma_start3A_316 = tpu.memref_slice %arg5[%and3A_211, %dma_start3A_315] : memref<4x1024xi32, #tpu.memory_space<vmem>> -> memref<1x1024xi32, #tpu.memory_space<vmem>>
        %dma_start3A_317 = tpu.memref_squeeze %dma_start3A_316 : memref<1x1024xi32, #tpu.memory_space<vmem>> -> memref<1024xi32, #tpu.memory_space<vmem>>
        %dma_start3A_318 = arith.constant 0 : i32
        %dma_start3A_319 = tpu.memref_slice %arg3[%add3A_314, %dma_start3A_318] : memref<4096x1024xi32, #tpu.memory_space<hbm>> -> memref<1x1024xi32, #tpu.memory_space<hbm>>
        %dma_start3A_320 = tpu.memref_squeeze %dma_start3A_319 : memref<1x1024xi32, #tpu.memory_space<hbm>> -> memref<1024xi32, #tpu.memory_space<hbm>>
        %dma_start3A_321 = arith.constant 0 : i32
        %dma_start3A_322 = tpu.memref_slice %arg5[%and3A_211, %dma_start3A_321] : memref<4x1024xi32, #tpu.memory_space<vmem>> -> memref<1x1024xi32, #tpu.memory_space<vmem>>
        %dma_start3A_323 = tpu.memref_squeeze %dma_start3A_322 : memref<1x1024xi32, #tpu.memory_space<vmem>> -> memref<1024xi32, #tpu.memory_space<vmem>>
        %dma_start3A_324 = arith.constant 0 : i32
        %dma_start3A_325 = tpu.memref_slice %arg3[%add3A_314, %dma_start3A_324] : memref<4096x1024xi32, #tpu.memory_space<hbm>> -> memref<1x1024xi32, #tpu.memory_space<hbm>>
        %dma_start3A_326 = tpu.memref_squeeze %dma_start3A_325 : memref<1x1024xi32, #tpu.memory_space<hbm>> -> memref<1024xi32, #tpu.memory_space<hbm>>
        tpu.enqueue_dma source(%dma_start3A_326 : memref<1024xi32, #tpu.memory_space<hbm>>) target(%dma_start3A_323 : memref<1024xi32, #tpu.memory_space<vmem>>) target_semaphore(%arg9 : memref<!tpu.dma_semaphore, #tpu.memory_space<semaphore_mem>>)
      } else {
      }
      %add3A_235 = arith.constant 3 : i32
      %add3A_236 = arith.addi %scan3A_208, %add3A_235 : i32
      %lt3A_237 = arith.constant 128 : i32
      %lt3A_238 = arith.cmpi slt, %add3A_236, %lt3A_237 : i32
      %convert_element_type3A_239 = arith.extui %lt3A_238 : i1 to i32
      %cond3A_240 = arith.constant 0 : i32
      %cond3A_241 = arith.cmpi ne, %convert_element_type3A_239, %cond3A_240 : i32
      scf.if %cond3A_241 {
        %add3A_313 = arith.constant 3 : i32
        %add3A_314 = arith.addi %add3A_209, %add3A_313 : i32
        %dma_wait3A_315 = arith.constant 0 : i32
        %dma_wait3A_316 = tpu.memref_slice %arg5[%and3A_215, %dma_wait3A_315] : memref<4x1024xi32, #tpu.memory_space<vmem>> -> memref<1x1024xi32, #tpu.memory_space<vmem>>
        %dma_wait3A_317 = tpu.memref_squeeze %dma_wait3A_316 : memref<1x1024xi32, #tpu.memory_space<vmem>> -> memref<1024xi32, #tpu.memory_space<vmem>>
        %dma_wait3A_318 = arith.constant 0 : i32
        %dma_wait3A_319 = tpu.memref_slice %arg3[%add3A_314, %dma_wait3A_318] : memref<4096x1024xi32, #tpu.memory_space<hbm>> -> memref<1x1024xi32, #tpu.memory_space<hbm>>
        %dma_wait3A_320 = tpu.memref_squeeze %dma_wait3A_319 : memref<1x1024xi32, #tpu.memory_space<hbm>> -> memref<1024xi32, #tpu.memory_space<hbm>>
        %dma_wait3A_321 = arith.constant 0 : i32
        %dma_wait3A_322 = tpu.memref_slice %arg5[%and3A_215, %dma_wait3A_321] : memref<4x1024xi32, #tpu.memory_space<vmem>> -> memref<1x1024xi32, #tpu.memory_space<vmem>>
        %dma_wait3A_323 = tpu.memref_squeeze %dma_wait3A_322 : memref<1x1024xi32, #tpu.memory_space<vmem>> -> memref<1024xi32, #tpu.memory_space<vmem>>
        %dma_wait3A_324 = arith.constant 0 : i32
        %dma_wait3A_325 = tpu.memref_slice %arg3[%add3A_314, %dma_wait3A_324] : memref<4096x1024xi32, #tpu.memory_space<hbm>> -> memref<1x1024xi32, #tpu.memory_space<hbm>>
        %dma_wait3A_326 = tpu.memref_squeeze %dma_wait3A_325 : memref<1x1024xi32, #tpu.memory_space<hbm>> -> memref<1024xi32, #tpu.memory_space<hbm>>
        tpu.wait_dma2 semaphore(%arg9 : memref<!tpu.dma_semaphore, #tpu.memory_space<semaphore_mem>>) src(%dma_wait3A_326 : memref<1024xi32, #tpu.memory_space<hbm>>) dst(%dma_wait3A_323 : memref<1024xi32, #tpu.memory_space<vmem>>)
        %scan3A_327 = arith.constant 0 : i32
        %scan3A_328 = arith.constant 0 : i32
        %scan3A_329 = arith.constant 64 : i32
        %scan3A_330 = arith.addi %scan3A_328, %scan3A_329 : i32
        %scan3A_331 = arith.constant 8 : i32
        scf.for %scan3A_343 = %scan3A_328 to %scan3A_330 step %scan3A_331  : i32 {
          %mul3A_344 = arith.constant 16 : i32
          %mul3A_345 = arith.muli %scan3A_343, %mul3A_344 : i32
          %get3A = arith.index_cast %and3A_215 : i32 to index
          %get3A_346 = arith.index_cast %mul3A_345 : i32 to index
          %get3A_347 = tpu.vector_load %arg5[%get3A, %get3A_346] {strides = array<i32>} : memref<4x1024xi32, #tpu.memory_space<vmem>>, vector<16xi32>,
          %add3A_348 = arith.addi %get3A_347, %shift_left3A_8 : vector<16xi32>
          %mul3A_349 = arith.constant 16 : i32
          %mul3A_350 = arith.muli %scan3A_343, %mul3A_349 : i32
          %swap3A = arith.index_cast %and3A_215 : i32 to index
          %swap3A_351 = arith.index_cast %mul3A_350 : i32 to index
          %swap3A_352 = tpu.vector_load %arg5[%swap3A, %swap3A_351] {strides = array<i32>} : memref<4x1024xi32, #tpu.memory_space<vmem>>, vector<16xi32>,
          tpu.vector_store %arg5[%swap3A, %swap3A_351], %add3A_348 {strides = array<i32>} : memref<4x1024xi32, #tpu.memory_space<vmem>>, vector<16xi32>,
          %scan3A_353 = arith.constant 1 : i32
          %scan3A_354 = arith.addi %scan3A_343, %scan3A_353 : i32
          %mul3A_355 = arith.constant 16 : i32
          %mul3A_356 = arith.muli %scan3A_354, %mul3A_355 : i32
          %get3A_357 = arith.index_cast %and3A_215 : i32 to index
          %get3A_358 = arith.index_cast %mul3A_356 : i32 to index
          %get3A_359 = tpu.vector_load %arg5[%get3A_357, %get3A_358] {strides = array<i32>} : memref<4x1024xi32, #tpu.memory_space<vmem>>, vector<16xi32>,
          %add3A_360 = arith.addi %get3A_359, %shift_left3A_8 : vector<16xi32>
          %mul3A_361 = arith.constant 16 : i32
          %mul3A_362 = arith.muli %scan3A_354, %mul3A_361 : i32
          %swap3A_363 = arith.index_cast %and3A_215 : i32 to index
          %swap3A_364 = arith.index_cast %mul3A_362 : i32 to index
          %swap3A_365 = tpu.vector_load %arg5[%swap3A_363, %swap3A_364] {strides = array<i32>} : memref<4x1024xi32, #tpu.memory_space<vmem>>, vector<16xi32>,
          tpu.vector_store %arg5[%swap3A_363, %swap3A_364], %add3A_360 {strides = array<i32>} : memref<4x1024xi32, #tpu.memory_space<vmem>>, vector<16xi32>,
          %scan3A_366 = arith.constant 2 : i32
          %scan3A_367 = arith.addi %scan3A_343, %scan3A_366 : i32
          %mul3A_368 = arith.constant 16 : i32
          %mul3A_369 = arith.muli %scan3A_367, %mul3A_368 : i32
          %get3A_370 = arith.index_cast %and3A_215 : i32 to index
          %get3A_371 = arith.index_cast %mul3A_369 : i32 to index
          %get3A_372 = tpu.vector_load %arg5[%get3A_370, %get3A_371] {strides = array<i32>} : memref<4x1024xi32, #tpu.memory_space<vmem>>, vector<16xi32>,
          %add3A_373 = arith.addi %get3A_372, %shift_left3A_8 : vector<16xi32>
          %mul3A_374 = arith.constant 16 : i32
          %mul3A_375 = arith.muli %scan3A_367, %mul3A_374 : i32
          %swap3A_376 = arith.index_cast %and3A_215 : i32 to index
          %swap3A_377 = arith.index_cast %mul3A_375 : i32 to index
          %swap3A_378 = tpu.vector_load %arg5[%swap3A_376, %swap3A_377] {strides = array<i32>} : memref<4x1024xi32, #tpu.memory_space<vmem>>, vector<16xi32>,
          tpu.vector_store %arg5[%swap3A_376, %swap3A_377], %add3A_373 {strides = array<i32>} : memref<4x1024xi32, #tpu.memory_space<vmem>>, vector<16xi32>,
          %scan3A_379 = arith.constant 3 : i32
          %scan3A_380 = arith.addi %scan3A_343, %scan3A_379 : i32
          %mul3A_381 = arith.constant 16 : i32
          %mul3A_382 = arith.muli %scan3A_380, %mul3A_381 : i32
          %get3A_383 = arith.index_cast %and3A_215 : i32 to index
          %get3A_384 = arith.index_cast %mul3A_382 : i32 to index
          %get3A_385 = tpu.vector_load %arg5[%get3A_383, %get3A_384] {strides = array<i32>} : memref<4x1024xi32, #tpu.memory_space<vmem>>, vector<16xi32>,
          %add3A_386 = arith.addi %get3A_385, %shift_left3A_8 : vector<16xi32>
          %mul3A_387 = arith.constant 16 : i32
          %mul3A_388 = arith.muli %scan3A_380, %mul3A_387 : i32
          %swap3A_389 = arith.index_cast %and3A_215 : i32 to index
          %swap3A_390 = arith.index_cast %mul3A_388 : i32 to index
          %swap3A_391 = tpu.vector_load %arg5[%swap3A_389, %swap3A_390] {strides = array<i32>} : memref<4x1024xi32, #tpu.memory_space<vmem>>, vector<16xi32>,
          tpu.vector_store %arg5[%swap3A_389, %swap3A_390], %add3A_386 {strides = array<i32>} : memref<4x1024xi32, #tpu.memory_space<vmem>>, vector<16xi32>,
          %scan3A_392 = arith.constant 4 : i32
          %scan3A_393 = arith.addi %scan3A_343, %scan3A_392 : i32
          %mul3A_394 = arith.constant 16 : i32
          %mul3A_395 = arith.muli %scan3A_393, %mul3A_394 : i32
          %get3A_396 = arith.index_cast %and3A_215 : i32 to index
          %get3A_397 = arith.index_cast %mul3A_395 : i32 to index
          %get3A_398 = tpu.vector_load %arg5[%get3A_396, %get3A_397] {strides = array<i32>} : memref<4x1024xi32, #tpu.memory_space<vmem>>, vector<16xi32>,
          %add3A_399 = arith.addi %get3A_398, %shift_left3A_8 : vector<16xi32>
          %mul3A_400 = arith.constant 16 : i32
          %mul3A_401 = arith.muli %scan3A_393, %mul3A_400 : i32
          %swap3A_402 = arith.index_cast %and3A_215 : i32 to index
          %swap3A_403 = arith.index_cast %mul3A_401 : i32 to index
          %swap3A_404 = tpu.vector_load %arg5[%swap3A_402, %swap3A_403] {strides = array<i32>} : memref<4x1024xi32, #tpu.memory_space<vmem>>, vector<16xi32>,
          tpu.vector_store %arg5[%swap3A_402, %swap3A_403], %add3A_399 {strides = array<i32>} : memref<4x1024xi32, #tpu.memory_space<vmem>>, vector<16xi32>,
          %scan3A_405 = arith.constant 5 : i32
          %scan3A_406 = arith.addi %scan3A_343, %scan3A_405 : i32
          %mul3A_407 = arith.constant 16 : i32
          %mul3A_408 = arith.muli %scan3A_406, %mul3A_407 : i32
          %get3A_409 = arith.index_cast %and3A_215 : i32 to index
          %get3A_410 = arith.index_cast %mul3A_408 : i32 to index
          %get3A_411 = tpu.vector_load %arg5[%get3A_409, %get3A_410] {strides = array<i32>} : memref<4x1024xi32, #tpu.memory_space<vmem>>, vector<16xi32>,
          %add3A_412 = arith.addi %get3A_411, %shift_left3A_8 : vector<16xi32>
          %mul3A_413 = arith.constant 16 : i32
          %mul3A_414 = arith.muli %scan3A_406, %mul3A_413 : i32
          %swap3A_415 = arith.index_cast %and3A_215 : i32 to index
          %swap3A_416 = arith.index_cast %mul3A_414 : i32 to index
          %swap3A_417 = tpu.vector_load %arg5[%swap3A_415, %swap3A_416] {strides = array<i32>} : memref<4x1024xi32, #tpu.memory_space<vmem>>, vector<16xi32>,
          tpu.vector_store %arg5[%swap3A_415, %swap3A_416], %add3A_412 {strides = array<i32>} : memref<4x1024xi32, #tpu.memory_space<vmem>>, vector<16xi32>,
          %scan3A_418 = arith.constant 6 : i32
          %scan3A_419 = arith.addi %scan3A_343, %scan3A_418 : i32
          %mul3A_420 = arith.constant 16 : i32
          %mul3A_421 = arith.muli %scan3A_419, %mul3A_420 : i32
          %get3A_422 = arith.index_cast %and3A_215 : i32 to index
          %get3A_423 = arith.index_cast %mul3A_421 : i32 to index
          %get3A_424 = tpu.vector_load %arg5[%get3A_422, %get3A_423] {strides = array<i32>} : memref<4x1024xi32, #tpu.memory_space<vmem>>, vector<16xi32>,
          %add3A_425 = arith.addi %get3A_424, %shift_left3A_8 : vector<16xi32>
          %mul3A_426 = arith.constant 16 : i32
          %mul3A_427 = arith.muli %scan3A_419, %mul3A_426 : i32
          %swap3A_428 = arith.index_cast %and3A_215 : i32 to index
          %swap3A_429 = arith.index_cast %mul3A_427 : i32 to index
          %swap3A_430 = tpu.vector_load %arg5[%swap3A_428, %swap3A_429] {strides = array<i32>} : memref<4x1024xi32, #tpu.memory_space<vmem>>, vector<16xi32>,
          tpu.vector_store %arg5[%swap3A_428, %swap3A_429], %add3A_425 {strides = array<i32>} : memref<4x1024xi32, #tpu.memory_space<vmem>>, vector<16xi32>,
          %scan3A_431 = arith.constant 7 : i32
          %scan3A_432 = arith.addi %scan3A_343, %scan3A_431 : i32
          %mul3A_433 = arith.constant 16 : i32
          %mul3A_434 = arith.muli %scan3A_432, %mul3A_433 : i32
          %get3A_435 = arith.index_cast %and3A_215 : i32 to index
          %get3A_436 = arith.index_cast %mul3A_434 : i32 to index
          %get3A_437 = tpu.vector_load %arg5[%get3A_435, %get3A_436] {strides = array<i32>} : memref<4x1024xi32, #tpu.memory_space<vmem>>, vector<16xi32>,
          %add3A_438 = arith.addi %get3A_437, %shift_left3A_8 : vector<16xi32>
          %mul3A_439 = arith.constant 16 : i32
          %mul3A_440 = arith.muli %scan3A_432, %mul3A_439 : i32
          %swap3A_441 = arith.index_cast %and3A_215 : i32 to index
          %swap3A_442 = arith.index_cast %mul3A_440 : i32 to index
          %swap3A_443 = tpu.vector_load %arg5[%swap3A_441, %swap3A_442] {strides = array<i32>} : memref<4x1024xi32, #tpu.memory_space<vmem>>, vector<16xi32>,
          tpu.vector_store %arg5[%swap3A_441, %swap3A_442], %add3A_438 {strides = array<i32>} : memref<4x1024xi32, #tpu.memory_space<vmem>>, vector<16xi32>,
        }
        %scan3A_332 = arith.constant 64 : i32
        %dma_start3A_333 = arith.constant 0 : i32
        %dma_start3A_334 = arith.constant 0 : i32
        %dma_start3A_335 = tpu.memref_slice %arg6[%and3A_215, %dma_start3A_333, %dma_start3A_334] : memref<4x1024x8xf32, #tpu.memory_space<vmem>> -> memref<1x1024x8xf32, #tpu.memory_space<vmem>>
        %dma_start3A_336 = tpu.memref_squeeze %dma_start3A_335 : memref<1x1024x8xf32, #tpu.memory_space<vmem>> -> memref<1024x8xf32, #tpu.memory_space<vmem>>
        %dma_start3A_337 = arith.constant 0 : i32
        %dma_start3A_338 = tpu.memref_slice %arg5[%and3A_215, %dma_start3A_337] : memref<4x1024xi32, #tpu.memory_space<vmem>> -> memref<1x1024xi32, #tpu.memory_space<vmem>>
        %dma_start3A_339 = tpu.memref_squeeze %dma_start3A_338 : memref<1x1024xi32, #tpu.memory_space<vmem>> -> memref<1024xi32, #tpu.memory_space<vmem>>
        %dma_start3A_340 = arith.constant 0 : i32
        %dma_start3A_341 = arith.constant 0 : i32
        %dma_start3A_342 = tpu.memref_slice %arg8[%dma_start3A_340, %dma_start3A_341] : memref<131072x8xf32, #tpu.memory_space<vmem_shared>> -> memref<131072x8xf32, #tpu.memory_space<vmem_shared>>
        tpu.enqueue_indirect_dma source(%dma_start3A_342 : memref<131072x8xf32, #tpu.memory_space<vmem_shared>>) target(%dma_start3A_336 : memref<1024x8xf32, #tpu.memory_space<vmem>>) offsets(%dma_start3A_339 : memref<1024xi32, #tpu.memory_space<vmem>>) semaphore(%arg10 : memref<!tpu.dma_semaphore, #tpu.memory_space<semaphore_mem>>)
      } else {
      }
      %ge3A = arith.constant 2 : i32
      %ge3A_242 = arith.cmpi sge, %scan3A_208, %ge3A : i32
      %convert_element_type3A_243 = arith.extui %ge3A_242 : i1 to i32
      %cond3A_244 = arith.constant 0 : i32
      %cond3A_245 = arith.cmpi ne, %convert_element_type3A_243, %cond3A_244 : i32
      scf.if %cond3A_245 {
        %sub3A_313 = arith.constant 2 : i32
        %sub3A_314 = arith.subi %add3A_209, %sub3A_313 : i32
        %jit3A_315 = arith.constant 8 : i32
        %div3A_316 = arith.divsi %sub3A_314, %jit3A_315 : i32
        %sign3A_317 = arith.constant 0 : i32
        %sign3A_318 = arith.cmpi sgt, %sub3A_314, %sign3A_317 : i32
        %sign3A_319 = arith.extui %sign3A_318 : i1 to i32
        %sign3A_320 = arith.constant 0 : i32
        %sign3A_321 = arith.cmpi slt, %sub3A_314, %sign3A_320 : i32
        %sign3A_322 = arith.extui %sign3A_321 : i1 to i32
        %sign3A_323 = arith.subi %sign3A_319, %sign3A_322 : i32
        %sign3A_324 = arith.constant 0 : i32
        %sign3A_325 = arith.cmpi sgt, %jit3A_315, %sign3A_324 : i32
        %sign3A_326 = arith.extui %sign3A_325 : i1 to i32
        %sign3A_327 = arith.constant 0 : i32
        %sign3A_328 = arith.cmpi slt, %jit3A_315, %sign3A_327 : i32
        %sign3A_329 = arith.extui %sign3A_328 : i1 to i32
        %sign3A_330 = arith.subi %sign3A_326, %sign3A_329 : i32
        %ne3A_331 = arith.cmpi ne, %sign3A_323, %sign3A_330 : i32
        %rem3A_332 = arith.remsi %sub3A_314, %jit3A_315 : i32
        %ne3A_333 = arith.constant 0 : i32
        %ne3A_334 = arith.cmpi ne, %rem3A_332, %ne3A_333 : i32
        %and3A_335 = arith.andi %ne3A_331, %ne3A_334 : i1
        %sub3A_336 = arith.constant 1 : i32
        %sub3A_337 = arith.subi %div3A_316, %sub3A_336 : i32
        %select_n3A_338 = arith.select %and3A_335, %sub3A_337, %div3A_316 : i32
        %sub3A_339 = arith.constant 2 : i32
        %sub3A_340 = arith.subi %add3A_209, %sub3A_339 : i32
        %jit3A_341 = arith.constant 8 : i32
        %eq3A_342 = arith.constant 0 : i32
        %eq3A_343 = arith.cmpi eq, %jit3A_341, %eq3A_342 : i32
        %jit3A_344 = arith.constant 1 : i32
        %select_n3A_345 = arith.select %eq3A_343, %jit3A_344, %jit3A_341 : i32
        %rem3A_346 = arith.remsi %sub3A_340, %select_n3A_345 : i32
        %ne3A_347 = arith.constant 0 : i32
        %ne3A_348 = arith.cmpi ne, %rem3A_346, %ne3A_347 : i32
        %lt3A_349 = arith.constant 0 : i32
        %lt3A_350 = arith.cmpi slt, %rem3A_346, %lt3A_349 : i32
        %lt3A_351 = arith.constant 0 : i32
        %lt3A_352 = arith.cmpi slt, %select_n3A_345, %lt3A_351 : i32
        %ne3A_353 = arith.xori %lt3A_350, %lt3A_352 : i1
        %and3A_354 = arith.andi %ne3A_353, %ne3A_348 : i1
        %add3A_355 = arith.addi %rem3A_346, %select_n3A_345 : i32
        %select_n3A_356 = arith.select %and3A_354, %add3A_355, %rem3A_346 : i32
        %dma_wait3A_357 = arith.constant 0 : i32
        %dma_wait3A_358 = arith.constant 0 : i32
        %dma_wait3A_359 = tpu.memref_slice %arg7[%and3A_217, %dma_wait3A_357, %dma_wait3A_358] : memref<2x32x128xf32, #tpu.memory_space<vmem>> -> memref<1x32x128xf32, #tpu.memory_space<vmem>>
        %dma_wait3A_360 = tpu.memref_squeeze %dma_wait3A_359 : memref<1x32x128xf32, #tpu.memory_space<vmem>> -> memref<32x128xf32, #tpu.memory_space<vmem>>
        %dma_wait3A_361 = arith.constant 0 : i32
        %dma_wait3A_362 = arith.constant 0 : i32
        %dma_wait3A_363 = tpu.memref_slice %arg4[%select_n3A_338, %dma_wait3A_361, %select_n3A_356, %dma_wait3A_362] : memref<512x32x8x128xf32, #tpu.memory_space<hbm>> -> memref<1x32x1x128xf32, #tpu.memory_space<hbm>>
        %dma_wait3A_364 = tpu.memref_squeeze %dma_wait3A_363 : memref<1x32x1x128xf32, #tpu.memory_space<hbm>> -> memref<32x128xf32, #tpu.memory_space<hbm>>
        %dma_wait3A_365 = arith.constant 0 : i32
        %dma_wait3A_366 = arith.constant 0 : i32
        %dma_wait3A_367 = tpu.memref_slice %arg4[%select_n3A_338, %dma_wait3A_365, %select_n3A_356, %dma_wait3A_366] : memref<512x32x8x128xf32, #tpu.memory_space<hbm>> -> memref<1x32x1x128xf32, #tpu.memory_space<hbm>>
        %dma_wait3A_368 = tpu.memref_squeeze %dma_wait3A_367 : memref<1x32x1x128xf32, #tpu.memory_space<hbm>> -> memref<32x128xf32, #tpu.memory_space<hbm>>
        %dma_wait3A_369 = arith.constant 0 : i32
        %dma_wait3A_370 = arith.constant 0 : i32
        %dma_wait3A_371 = tpu.memref_slice %arg7[%and3A_217, %dma_wait3A_369, %dma_wait3A_370] : memref<2x32x128xf32, #tpu.memory_space<vmem>> -> memref<1x32x128xf32, #tpu.memory_space<vmem>>
        %dma_wait3A_372 = tpu.memref_squeeze %dma_wait3A_371 : memref<1x32x128xf32, #tpu.memory_space<vmem>> -> memref<32x128xf32, #tpu.memory_space<vmem>>
        tpu.wait_dma2 semaphore(%arg11 : memref<!tpu.dma_semaphore, #tpu.memory_space<semaphore_mem>>) src(%dma_wait3A_372 : memref<32x128xf32, #tpu.memory_space<vmem>>) dst(%dma_wait3A_368 : memref<32x128xf32, #tpu.memory_space<hbm>>)
      } else {
      }
      %mul3A_246 = arith.constant 0 : i32
      %mul3A_247 = vector.broadcast %mul3A_246 : i32 to vector<16xi32>
      %mul3A_248 = arith.muli %iota3A, %mul3A_247 : vector<16xi32>
      %add3A_249 = vector.broadcast %and3A_211 : i32 to vector<16xi32>
      %add3A_250 = arith.addi %mul3A_248, %add3A_249 : vector<16xi32>
      %scan3A_251 = arith.constant 0 : i32
      %scan3A_252 = arith.constant 0 : i32
      %scan3A_253 = arith.constant 256 : i32
      %scan3A_254 = arith.addi %scan3A_252, %scan3A_253 : i32
      %scan3A_255 = arith.constant 8 : i32
      scf.for %scan3A_313 = %scan3A_252 to %scan3A_254 step %scan3A_255  : i32 {
        %mul3A_314 = arith.constant 4 : i32
        %mul3A_315 = arith.muli %mul3A_314, %scan3A_313 : i32
        %mul3A_316 = arith.constant 2 : i32
        %mul3A_317 = vector.broadcast %mul3A_316 : i32 to vector<16xi32>
        %mul3A_318 = arith.muli %mul3A_317, %shift_right_arithmetic3A_10 : vector<16xi32>
        %add3A_319 = vector.broadcast %mul3A_315 : i32 to vector<16xi32>
        %add3A_320 = arith.addi %add3A_319, %mul3A_318 : vector<16xi32>
        %gather3A = tpu.vector_load_idx %arg6[%add3A_250, %add3A_320, %and3A_13] : memref<4x1024x8xf32, #tpu.memory_space<vmem>>[vector<16xi32>, vector<16xi32>, vector<16xi32>], vector<16xf32>,
        %add3A_321 = arith.constant 1 : i32
        %add3A_322 = vector.broadcast %add3A_321 : i32 to vector<16xi32>
        %add3A_323 = arith.addi %add3A_320, %add3A_322 : vector<16xi32>
        %gather3A_324 = tpu.vector_load_idx %arg6[%add3A_250, %add3A_323, %and3A_13] : memref<4x1024x8xf32, #tpu.memory_space<vmem>>[vector<16xi32>, vector<16xi32>, vector<16xi32>], vector<16xf32>,
        %add3A_325 = arith.addf %gather3A, %gather3A_324 : vector<16xf32>
        %shift_right_arithmetic3A_326 = arith.constant 3 : i32
        %shift_right_arithmetic3A_327 = arith.shrsi %scan3A_313, %shift_right_arithmetic3A_326 : i32
        %and3A_328 = arith.constant 7 : i32
        %and3A_329 = arith.andi %scan3A_313, %and3A_328 : i32
        %mul3A_330 = arith.constant 16 : i32
        %mul3A_331 = arith.muli %and3A_329, %mul3A_330 : i32
        %swap3A = arith.index_cast %and3A_217 : i32 to index
        %swap3A_332 = arith.index_cast %shift_right_arithmetic3A_327 : i32 to index
        %swap3A_333 = arith.index_cast %mul3A_331 : i32 to index
        %swap3A_334 = tpu.vector_load %arg7[%swap3A, %swap3A_332, %swap3A_333] {strides = array<i32>} : memref<2x32x128xf32, #tpu.memory_space<vmem>>, vector<16xf32>,
        tpu.vector_store %arg7[%swap3A, %swap3A_332, %swap3A_333], %add3A_325 {strides = array<i32>} : memref<2x32x128xf32, #tpu.memory_space<vmem>>, vector<16xf32>,
        %scan3A_335 = arith.constant 1 : i32
        %scan3A_336 = arith.addi %scan3A_313, %scan3A_335 : i32
        %mul3A_337 = arith.constant 4 : i32
        %mul3A_338 = arith.muli %mul3A_337, %scan3A_336 : i32
        %mul3A_339 = arith.constant 2 : i32
        %mul3A_340 = vector.broadcast %mul3A_339 : i32 to vector<16xi32>
        %mul3A_341 = arith.muli %mul3A_340, %shift_right_arithmetic3A_10 : vector<16xi32>
        %add3A_342 = vector.broadcast %mul3A_338 : i32 to vector<16xi32>
        %add3A_343 = arith.addi %add3A_342, %mul3A_341 : vector<16xi32>
        %gather3A_344 = tpu.vector_load_idx %arg6[%add3A_250, %add3A_343, %and3A_13] : memref<4x1024x8xf32, #tpu.memory_space<vmem>>[vector<16xi32>, vector<16xi32>, vector<16xi32>], vector<16xf32>,
        %add3A_345 = arith.constant 1 : i32
        %add3A_346 = vector.broadcast %add3A_345 : i32 to vector<16xi32>
        %add3A_347 = arith.addi %add3A_343, %add3A_346 : vector<16xi32>
        %gather3A_348 = tpu.vector_load_idx %arg6[%add3A_250, %add3A_347, %and3A_13] : memref<4x1024x8xf32, #tpu.memory_space<vmem>>[vector<16xi32>, vector<16xi32>, vector<16xi32>], vector<16xf32>,
        %add3A_349 = arith.addf %gather3A_344, %gather3A_348 : vector<16xf32>
        %shift_right_arithmetic3A_350 = arith.constant 3 : i32
        %shift_right_arithmetic3A_351 = arith.shrsi %scan3A_336, %shift_right_arithmetic3A_350 : i32
        %and3A_352 = arith.constant 7 : i32
        %and3A_353 = arith.andi %scan3A_336, %and3A_352 : i32
        %mul3A_354 = arith.constant 16 : i32
        %mul3A_355 = arith.muli %and3A_353, %mul3A_354 : i32
        %swap3A_356 = arith.index_cast %and3A_217 : i32 to index
        %swap3A_357 = arith.index_cast %shift_right_arithmetic3A_351 : i32 to index
        %swap3A_358 = arith.index_cast %mul3A_355 : i32 to index
        %swap3A_359 = tpu.vector_load %arg7[%swap3A_356, %swap3A_357, %swap3A_358] {strides = array<i32>} : memref<2x32x128xf32, #tpu.memory_space<vmem>>, vector<16xf32>,
        tpu.vector_store %arg7[%swap3A_356, %swap3A_357, %swap3A_358], %add3A_349 {strides = array<i32>} : memref<2x32x128xf32, #tpu.memory_space<vmem>>, vector<16xf32>,
        %scan3A_360 = arith.constant 2 : i32
        %scan3A_361 = arith.addi %scan3A_313, %scan3A_360 : i32
        %mul3A_362 = arith.constant 4 : i32
        %mul3A_363 = arith.muli %mul3A_362, %scan3A_361 : i32
        %mul3A_364 = arith.constant 2 : i32
        %mul3A_365 = vector.broadcast %mul3A_364 : i32 to vector<16xi32>
        %mul3A_366 = arith.muli %mul3A_365, %shift_right_arithmetic3A_10 : vector<16xi32>
        %add3A_367 = vector.broadcast %mul3A_363 : i32 to vector<16xi32>
        %add3A_368 = arith.addi %add3A_367, %mul3A_366 : vector<16xi32>
        %gather3A_369 = tpu.vector_load_idx %arg6[%add3A_250, %add3A_368, %and3A_13] : memref<4x1024x8xf32, #tpu.memory_space<vmem>>[vector<16xi32>, vector<16xi32>, vector<16xi32>], vector<16xf32>,
        %add3A_370 = arith.constant 1 : i32
        %add3A_371 = vector.broadcast %add3A_370 : i32 to vector<16xi32>
        %add3A_372 = arith.addi %add3A_368, %add3A_371 : vector<16xi32>
        %gather3A_373 = tpu.vector_load_idx %arg6[%add3A_250, %add3A_372, %and3A_13] : memref<4x1024x8xf32, #tpu.memory_space<vmem>>[vector<16xi32>, vector<16xi32>, vector<16xi32>], vector<16xf32>,
        %add3A_374 = arith.addf %gather3A_369, %gather3A_373 : vector<16xf32>
        %shift_right_arithmetic3A_375 = arith.constant 3 : i32
        %shift_right_arithmetic3A_376 = arith.shrsi %scan3A_361, %shift_right_arithmetic3A_375 : i32
        %and3A_377 = arith.constant 7 : i32
        %and3A_378 = arith.andi %scan3A_361, %and3A_377 : i32
        %mul3A_379 = arith.constant 16 : i32
        %mul3A_380 = arith.muli %and3A_378, %mul3A_379 : i32
        %swap3A_381 = arith.index_cast %and3A_217 : i32 to index
        %swap3A_382 = arith.index_cast %shift_right_arithmetic3A_376 : i32 to index
        %swap3A_383 = arith.index_cast %mul3A_380 : i32 to index
        %swap3A_384 = tpu.vector_load %arg7[%swap3A_381, %swap3A_382, %swap3A_383] {strides = array<i32>} : memref<2x32x128xf32, #tpu.memory_space<vmem>>, vector<16xf32>,
        tpu.vector_store %arg7[%swap3A_381, %swap3A_382, %swap3A_383], %add3A_374 {strides = array<i32>} : memref<2x32x128xf32, #tpu.memory_space<vmem>>, vector<16xf32>,
        %scan3A_385 = arith.constant 3 : i32
        %scan3A_386 = arith.addi %scan3A_313, %scan3A_385 : i32
        %mul3A_387 = arith.constant 4 : i32
        %mul3A_388 = arith.muli %mul3A_387, %scan3A_386 : i32
        %mul3A_389 = arith.constant 2 : i32
        %mul3A_390 = vector.broadcast %mul3A_389 : i32 to vector<16xi32>
        %mul3A_391 = arith.muli %mul3A_390, %shift_right_arithmetic3A_10 : vector<16xi32>
        %add3A_392 = vector.broadcast %mul3A_388 : i32 to vector<16xi32>
        %add3A_393 = arith.addi %add3A_392, %mul3A_391 : vector<16xi32>
        %gather3A_394 = tpu.vector_load_idx %arg6[%add3A_250, %add3A_393, %and3A_13] : memref<4x1024x8xf32, #tpu.memory_space<vmem>>[vector<16xi32>, vector<16xi32>, vector<16xi32>], vector<16xf32>,
        %add3A_395 = arith.constant 1 : i32
        %add3A_396 = vector.broadcast %add3A_395 : i32 to vector<16xi32>
        %add3A_397 = arith.addi %add3A_393, %add3A_396 : vector<16xi32>
        %gather3A_398 = tpu.vector_load_idx %arg6[%add3A_250, %add3A_397, %and3A_13] : memref<4x1024x8xf32, #tpu.memory_space<vmem>>[vector<16xi32>, vector<16xi32>, vector<16xi32>], vector<16xf32>,
        %add3A_399 = arith.addf %gather3A_394, %gather3A_398 : vector<16xf32>
        %shift_right_arithmetic3A_400 = arith.constant 3 : i32
        %shift_right_arithmetic3A_401 = arith.shrsi %scan3A_386, %shift_right_arithmetic3A_400 : i32
        %and3A_402 = arith.constant 7 : i32
        %and3A_403 = arith.andi %scan3A_386, %and3A_402 : i32
        %mul3A_404 = arith.constant 16 : i32
        %mul3A_405 = arith.muli %and3A_403, %mul3A_404 : i32
        %swap3A_406 = arith.index_cast %and3A_217 : i32 to index
        %swap3A_407 = arith.index_cast %shift_right_arithmetic3A_401 : i32 to index
        %swap3A_408 = arith.index_cast %mul3A_405 : i32 to index
        %swap3A_409 = tpu.vector_load %arg7[%swap3A_406, %swap3A_407, %swap3A_408] {strides = array<i32>} : memref<2x32x128xf32, #tpu.memory_space<vmem>>, vector<16xf32>,
        tpu.vector_store %arg7[%swap3A_406, %swap3A_407, %swap3A_408], %add3A_399 {strides = array<i32>} : memref<2x32x128xf32, #tpu.memory_space<vmem>>, vector<16xf32>,
        %scan3A_410 = arith.constant 4 : i32
        %scan3A_411 = arith.addi %scan3A_313, %scan3A_410 : i32
        %mul3A_412 = arith.constant 4 : i32
        %mul3A_413 = arith.muli %mul3A_412, %scan3A_411 : i32
        %mul3A_414 = arith.constant 2 : i32
        %mul3A_415 = vector.broadcast %mul3A_414 : i32 to vector<16xi32>
        %mul3A_416 = arith.muli %mul3A_415, %shift_right_arithmetic3A_10 : vector<16xi32>
        %add3A_417 = vector.broadcast %mul3A_413 : i32 to vector<16xi32>
        %add3A_418 = arith.addi %add3A_417, %mul3A_416 : vector<16xi32>
        %gather3A_419 = tpu.vector_load_idx %arg6[%add3A_250, %add3A_418, %and3A_13] : memref<4x1024x8xf32, #tpu.memory_space<vmem>>[vector<16xi32>, vector<16xi32>, vector<16xi32>], vector<16xf32>,
        %add3A_420 = arith.constant 1 : i32
        %add3A_421 = vector.broadcast %add3A_420 : i32 to vector<16xi32>
        %add3A_422 = arith.addi %add3A_418, %add3A_421 : vector<16xi32>
        %gather3A_423 = tpu.vector_load_idx %arg6[%add3A_250, %add3A_422, %and3A_13] : memref<4x1024x8xf32, #tpu.memory_space<vmem>>[vector<16xi32>, vector<16xi32>, vector<16xi32>], vector<16xf32>,
        %add3A_424 = arith.addf %gather3A_419, %gather3A_423 : vector<16xf32>
        %shift_right_arithmetic3A_425 = arith.constant 3 : i32
        %shift_right_arithmetic3A_426 = arith.shrsi %scan3A_411, %shift_right_arithmetic3A_425 : i32
        %and3A_427 = arith.constant 7 : i32
        %and3A_428 = arith.andi %scan3A_411, %and3A_427 : i32
        %mul3A_429 = arith.constant 16 : i32
        %mul3A_430 = arith.muli %and3A_428, %mul3A_429 : i32
        %swap3A_431 = arith.index_cast %and3A_217 : i32 to index
        %swap3A_432 = arith.index_cast %shift_right_arithmetic3A_426 : i32 to index
        %swap3A_433 = arith.index_cast %mul3A_430 : i32 to index
        %swap3A_434 = tpu.vector_load %arg7[%swap3A_431, %swap3A_432, %swap3A_433] {strides = array<i32>} : memref<2x32x128xf32, #tpu.memory_space<vmem>>, vector<16xf32>,
        tpu.vector_store %arg7[%swap3A_431, %swap3A_432, %swap3A_433], %add3A_424 {strides = array<i32>} : memref<2x32x128xf32, #tpu.memory_space<vmem>>, vector<16xf32>,
        %scan3A_435 = arith.constant 5 : i32
        %scan3A_436 = arith.addi %scan3A_313, %scan3A_435 : i32
        %mul3A_437 = arith.constant 4 : i32
        %mul3A_438 = arith.muli %mul3A_437, %scan3A_436 : i32
        %mul3A_439 = arith.constant 2 : i32
        %mul3A_440 = vector.broadcast %mul3A_439 : i32 to vector<16xi32>
        %mul3A_441 = arith.muli %mul3A_440, %shift_right_arithmetic3A_10 : vector<16xi32>
        %add3A_442 = vector.broadcast %mul3A_438 : i32 to vector<16xi32>
        %add3A_443 = arith.addi %add3A_442, %mul3A_441 : vector<16xi32>
        %gather3A_444 = tpu.vector_load_idx %arg6[%add3A_250, %add3A_443, %and3A_13] : memref<4x1024x8xf32, #tpu.memory_space<vmem>>[vector<16xi32>, vector<16xi32>, vector<16xi32>], vector<16xf32>,
        %add3A_445 = arith.constant 1 : i32
        %add3A_446 = vector.broadcast %add3A_445 : i32 to vector<16xi32>
        %add3A_447 = arith.addi %add3A_443, %add3A_446 : vector<16xi32>
        %gather3A_448 = tpu.vector_load_idx %arg6[%add3A_250, %add3A_447, %and3A_13] : memref<4x1024x8xf32, #tpu.memory_space<vmem>>[vector<16xi32>, vector<16xi32>, vector<16xi32>], vector<16xf32>,
        %add3A_449 = arith.addf %gather3A_444, %gather3A_448 : vector<16xf32>
        %shift_right_arithmetic3A_450 = arith.constant 3 : i32
        %shift_right_arithmetic3A_451 = arith.shrsi %scan3A_436, %shift_right_arithmetic3A_450 : i32
        %and3A_452 = arith.constant 7 : i32
        %and3A_453 = arith.andi %scan3A_436, %and3A_452 : i32
        %mul3A_454 = arith.constant 16 : i32
        %mul3A_455 = arith.muli %and3A_453, %mul3A_454 : i32
        %swap3A_456 = arith.index_cast %and3A_217 : i32 to index
        %swap3A_457 = arith.index_cast %shift_right_arithmetic3A_451 : i32 to index
        %swap3A_458 = arith.index_cast %mul3A_455 : i32 to index
        %swap3A_459 = tpu.vector_load %arg7[%swap3A_456, %swap3A_457, %swap3A_458] {strides = array<i32>} : memref<2x32x128xf32, #tpu.memory_space<vmem>>, vector<16xf32>,
        tpu.vector_store %arg7[%swap3A_456, %swap3A_457, %swap3A_458], %add3A_449 {strides = array<i32>} : memref<2x32x128xf32, #tpu.memory_space<vmem>>, vector<16xf32>,
        %scan3A_460 = arith.constant 6 : i32
        %scan3A_461 = arith.addi %scan3A_313, %scan3A_460 : i32
        %mul3A_462 = arith.constant 4 : i32
        %mul3A_463 = arith.muli %mul3A_462, %scan3A_461 : i32
        %mul3A_464 = arith.constant 2 : i32
        %mul3A_465 = vector.broadcast %mul3A_464 : i32 to vector<16xi32>
        %mul3A_466 = arith.muli %mul3A_465, %shift_right_arithmetic3A_10 : vector<16xi32>
        %add3A_467 = vector.broadcast %mul3A_463 : i32 to vector<16xi32>
        %add3A_468 = arith.addi %add3A_467, %mul3A_466 : vector<16xi32>
        %gather3A_469 = tpu.vector_load_idx %arg6[%add3A_250, %add3A_468, %and3A_13] : memref<4x1024x8xf32, #tpu.memory_space<vmem>>[vector<16xi32>, vector<16xi32>, vector<16xi32>], vector<16xf32>,
        %add3A_470 = arith.constant 1 : i32
        %add3A_471 = vector.broadcast %add3A_470 : i32 to vector<16xi32>
        %add3A_472 = arith.addi %add3A_468, %add3A_471 : vector<16xi32>
        %gather3A_473 = tpu.vector_load_idx %arg6[%add3A_250, %add3A_472, %and3A_13] : memref<4x1024x8xf32, #tpu.memory_space<vmem>>[vector<16xi32>, vector<16xi32>, vector<16xi32>], vector<16xf32>,
        %add3A_474 = arith.addf %gather3A_469, %gather3A_473 : vector<16xf32>
        %shift_right_arithmetic3A_475 = arith.constant 3 : i32
        %shift_right_arithmetic3A_476 = arith.shrsi %scan3A_461, %shift_right_arithmetic3A_475 : i32
        %and3A_477 = arith.constant 7 : i32
        %and3A_478 = arith.andi %scan3A_461, %and3A_477 : i32
        %mul3A_479 = arith.constant 16 : i32
        %mul3A_480 = arith.muli %and3A_478, %mul3A_479 : i32
        %swap3A_481 = arith.index_cast %and3A_217 : i32 to index
        %swap3A_482 = arith.index_cast %shift_right_arithmetic3A_476 : i32 to index
        %swap3A_483 = arith.index_cast %mul3A_480 : i32 to index
        %swap3A_484 = tpu.vector_load %arg7[%swap3A_481, %swap3A_482, %swap3A_483] {strides = array<i32>} : memref<2x32x128xf32, #tpu.memory_space<vmem>>, vector<16xf32>,
        tpu.vector_store %arg7[%swap3A_481, %swap3A_482, %swap3A_483], %add3A_474 {strides = array<i32>} : memref<2x32x128xf32, #tpu.memory_space<vmem>>, vector<16xf32>,
        %scan3A_485 = arith.constant 7 : i32
        %scan3A_486 = arith.addi %scan3A_313, %scan3A_485 : i32
        %mul3A_487 = arith.constant 4 : i32
        %mul3A_488 = arith.muli %mul3A_487, %scan3A_486 : i32
        %mul3A_489 = arith.constant 2 : i32
        %mul3A_490 = vector.broadcast %mul3A_489 : i32 to vector<16xi32>
        %mul3A_491 = arith.muli %mul3A_490, %shift_right_arithmetic3A_10 : vector<16xi32>
        %add3A_492 = vector.broadcast %mul3A_488 : i32 to vector<16xi32>
        %add3A_493 = arith.addi %add3A_492, %mul3A_491 : vector<16xi32>
        %gather3A_494 = tpu.vector_load_idx %arg6[%add3A_250, %add3A_493, %and3A_13] : memref<4x1024x8xf32, #tpu.memory_space<vmem>>[vector<16xi32>, vector<16xi32>, vector<16xi32>], vector<16xf32>,
        %add3A_495 = arith.constant 1 : i32
        %add3A_496 = vector.broadcast %add3A_495 : i32 to vector<16xi32>
        %add3A_497 = arith.addi %add3A_493, %add3A_496 : vector<16xi32>
        %gather3A_498 = tpu.vector_load_idx %arg6[%add3A_250, %add3A_497, %and3A_13] : memref<4x1024x8xf32, #tpu.memory_space<vmem>>[vector<16xi32>, vector<16xi32>, vector<16xi32>], vector<16xf32>,
        %add3A_499 = arith.addf %gather3A_494, %gather3A_498 : vector<16xf32>
        %shift_right_arithmetic3A_500 = arith.constant 3 : i32
        %shift_right_arithmetic3A_501 = arith.shrsi %scan3A_486, %shift_right_arithmetic3A_500 : i32
        %and3A_502 = arith.constant 7 : i32
        %and3A_503 = arith.andi %scan3A_486, %and3A_502 : i32
        %mul3A_504 = arith.constant 16 : i32
        %mul3A_505 = arith.muli %and3A_503, %mul3A_504 : i32
        %swap3A_506 = arith.index_cast %and3A_217 : i32 to index
        %swap3A_507 = arith.index_cast %shift_right_arithmetic3A_501 : i32 to index
        %swap3A_508 = arith.index_cast %mul3A_505 : i32 to index
        %swap3A_509 = tpu.vector_load %arg7[%swap3A_506, %swap3A_507, %swap3A_508] {strides = array<i32>} : memref<2x32x128xf32, #tpu.memory_space<vmem>>, vector<16xf32>,
        tpu.vector_store %arg7[%swap3A_506, %swap3A_507, %swap3A_508], %add3A_499 {strides = array<i32>} : memref<2x32x128xf32, #tpu.memory_space<vmem>>, vector<16xf32>,
      }
      %scan3A_256 = arith.constant 256 : i32
      %jit3A_257 = arith.constant 8 : i32
      %div3A_258 = arith.divsi %add3A_209, %jit3A_257 : i32
      %sign3A_259 = arith.constant 0 : i32
      %sign3A_260 = arith.cmpi sgt, %add3A_209, %sign3A_259 : i32
      %sign3A_261 = arith.extui %sign3A_260 : i1 to i32
      %sign3A_262 = arith.constant 0 : i32
      %sign3A_263 = arith.cmpi slt, %add3A_209, %sign3A_262 : i32
      %sign3A_264 = arith.extui %sign3A_263 : i1 to i32
      %sign3A_265 = arith.subi %sign3A_261, %sign3A_264 : i32
      %sign3A_266 = arith.constant 0 : i32
      %sign3A_267 = arith.cmpi sgt, %jit3A_257, %sign3A_266 : i32
      %sign3A_268 = arith.extui %sign3A_267 : i1 to i32
      %sign3A_269 = arith.constant 0 : i32
      %sign3A_270 = arith.cmpi slt, %jit3A_257, %sign3A_269 : i32
      %sign3A_271 = arith.extui %sign3A_270 : i1 to i32
      %sign3A_272 = arith.subi %sign3A_268, %sign3A_271 : i32
      %ne3A_273 = arith.cmpi ne, %sign3A_265, %sign3A_272 : i32
      %rem3A_274 = arith.remsi %add3A_209, %jit3A_257 : i32
      %ne3A_275 = arith.constant 0 : i32
      %ne3A_276 = arith.cmpi ne, %rem3A_274, %ne3A_275 : i32
      %and3A_277 = arith.andi %ne3A_273, %ne3A_276 : i1
      %sub3A_278 = arith.constant 1 : i32
      %sub3A_279 = arith.subi %div3A_258, %sub3A_278 : i32
      %select_n3A_280 = arith.select %and3A_277, %sub3A_279, %div3A_258 : i32
      %jit3A_281 = arith.constant 8 : i32
      %eq3A_282 = arith.constant 0 : i32
      %eq3A_283 = arith.cmpi eq, %jit3A_281, %eq3A_282 : i32
      %jit3A_284 = arith.constant 1 : i32
      %select_n3A_285 = arith.select %eq3A_283, %jit3A_284, %jit3A_281 : i32
      %rem3A_286 = arith.remsi %add3A_209, %select_n3A_285 : i32
      %ne3A_287 = arith.constant 0 : i32
      %ne3A_288 = arith.cmpi ne, %rem3A_286, %ne3A_287 : i32
      %lt3A_289 = arith.constant 0 : i32
      %lt3A_290 = arith.cmpi slt, %rem3A_286, %lt3A_289 : i32
      %lt3A_291 = arith.constant 0 : i32
      %lt3A_292 = arith.cmpi slt, %select_n3A_285, %lt3A_291 : i32
      %ne3A_293 = arith.xori %lt3A_290, %lt3A_292 : i1
      %and3A_294 = arith.andi %ne3A_293, %ne3A_288 : i1
      %add3A_295 = arith.addi %rem3A_286, %select_n3A_285 : i32
      %select_n3A_296 = arith.select %and3A_294, %add3A_295, %rem3A_286 : i32
      %dma_start3A_297 = arith.constant 0 : i32
      %dma_start3A_298 = arith.constant 0 : i32
      %dma_start3A_299 = tpu.memref_slice %arg7[%and3A_217, %dma_start3A_297, %dma_start3A_298] : memref<2x32x128xf32, #tpu.memory_space<vmem>> -> memref<1x32x128xf32, #tpu.memory_space<vmem>>
      %dma_start3A_300 = tpu.memref_squeeze %dma_start3A_299 : memref<1x32x128xf32, #tpu.memory_space<vmem>> -> memref<32x128xf32, #tpu.memory_space<vmem>>
      %dma_start3A_301 = arith.constant 0 : i32
      %dma_start3A_302 = arith.constant 0 : i32
      %dma_start3A_303 = tpu.memref_slice %arg4[%select_n3A_280, %dma_start3A_301, %select_n3A_296, %dma_start3A_302] : memref<512x32x8x128xf32, #tpu.memory_space<hbm>> -> memref<1x32x1x128xf32, #tpu.memory_space<hbm>>
      %dma_start3A_304 = tpu.memref_squeeze %dma_start3A_303 : memref<1x32x1x128xf32, #tpu.memory_space<hbm>> -> memref<32x128xf32, #tpu.memory_space<hbm>>
      %dma_start3A_305 = arith.constant 0 : i32
      %dma_start3A_306 = arith.constant 0 : i32
      %dma_start3A_307 = tpu.memref_slice %arg4[%select_n3A_280, %dma_start3A_305, %select_n3A_296, %dma_start3A_306] : memref<512x32x8x128xf32, #tpu.memory_space<hbm>> -> memref<1x32x1x128xf32, #tpu.memory_space<hbm>>
      %dma_start3A_308 = tpu.memref_squeeze %dma_start3A_307 : memref<1x32x1x128xf32, #tpu.memory_space<hbm>> -> memref<32x128xf32, #tpu.memory_space<hbm>>
      %dma_start3A_309 = arith.constant 0 : i32
      %dma_start3A_310 = arith.constant 0 : i32
      %dma_start3A_311 = tpu.memref_slice %arg7[%and3A_217, %dma_start3A_309, %dma_start3A_310] : memref<2x32x128xf32, #tpu.memory_space<vmem>> -> memref<1x32x128xf32, #tpu.memory_space<vmem>>
      %dma_start3A_312 = tpu.memref_squeeze %dma_start3A_311 : memref<1x32x128xf32, #tpu.memory_space<vmem>> -> memref<32x128xf32, #tpu.memory_space<vmem>>
      tpu.enqueue_dma source(%dma_start3A_312 : memref<32x128xf32, #tpu.memory_space<vmem>>) target(%dma_start3A_308 : memref<32x128xf32, #tpu.memory_space<hbm>>) target_semaphore(%arg11 : memref<!tpu.dma_semaphore, #tpu.memory_space<semaphore_mem>>)
    }
    %scan3A_94 = arith.constant 128 : i32
    %add3A_95 = arith.constant 128 : i32
    %add3A_96 = arith.addi %mul3A_2, %add3A_95 : i32
    %sub3A = arith.constant 2 : i32
    %sub3A_97 = arith.subi %add3A_96, %sub3A : i32
    %jit3A = arith.constant 8 : i32
    %div3A = arith.divsi %sub3A_97, %jit3A : i32
    %sign3A = arith.constant 0 : i32
    %sign3A_98 = arith.cmpi sgt, %sub3A_97, %sign3A : i32
    %sign3A_99 = arith.extui %sign3A_98 : i1 to i32
    %sign3A_100 = arith.constant 0 : i32
    %sign3A_101 = arith.cmpi slt, %sub3A_97, %sign3A_100 : i32
    %sign3A_102 = arith.extui %sign3A_101 : i1 to i32
    %sign3A_103 = arith.subi %sign3A_99, %sign3A_102 : i32
    %sign3A_104 = arith.constant 0 : i32
    %sign3A_105 = arith.cmpi sgt, %jit3A, %sign3A_104 : i32
    %sign3A_106 = arith.extui %sign3A_105 : i1 to i32
    %sign3A_107 = arith.constant 0 : i32
    %sign3A_108 = arith.cmpi slt, %jit3A, %sign3A_107 : i32
    %sign3A_109 = arith.extui %sign3A_108 : i1 to i32
    %sign3A_110 = arith.subi %sign3A_106, %sign3A_109 : i32
    %ne3A = arith.cmpi ne, %sign3A_103, %sign3A_110 : i32
    %rem3A = arith.remsi %sub3A_97, %jit3A : i32
    %ne3A_111 = arith.constant 0 : i32
    %ne3A_112 = arith.cmpi ne, %rem3A, %ne3A_111 : i32
    %and3A_113 = arith.andi %ne3A, %ne3A_112 : i1
    %sub3A_114 = arith.constant 1 : i32
    %sub3A_115 = arith.subi %div3A, %sub3A_114 : i32
    %select_n3A = arith.select %and3A_113, %sub3A_115, %div3A : i32
    %jit3A_116 = arith.constant 8 : i32
    %eq3A_117 = arith.constant 0 : i32
    %eq3A_118 = arith.cmpi eq, %jit3A_116, %eq3A_117 : i32
    %jit3A_119 = arith.constant 1 : i32
    %select_n3A_120 = arith.select %eq3A_118, %jit3A_119, %jit3A_116 : i32
    %rem3A_121 = arith.remsi %sub3A_97, %select_n3A_120 : i32
    %ne3A_122 = arith.constant 0 : i32
    %ne3A_123 = arith.cmpi ne, %rem3A_121, %ne3A_122 : i32
    %lt3A = arith.constant 0 : i32
    %lt3A_124 = arith.cmpi slt, %rem3A_121, %lt3A : i32
    %lt3A_125 = arith.constant 0 : i32
    %lt3A_126 = arith.cmpi slt, %select_n3A_120, %lt3A_125 : i32
    %ne3A_127 = arith.xori %lt3A_124, %lt3A_126 : i1
    %and3A_128 = arith.andi %ne3A_127, %ne3A_123 : i1
    %add3A_129 = arith.addi %rem3A_121, %select_n3A_120 : i32
    %select_n3A_130 = arith.select %and3A_128, %add3A_129, %rem3A_121 : i32
    %dma_wait3A = arith.constant 0 : i32
    %dma_wait3A_131 = arith.constant 0 : i32
    %dma_wait3A_132 = arith.constant 0 : i32
    %dma_wait3A_133 = tpu.memref_slice %arg7[%dma_wait3A, %dma_wait3A_131, %dma_wait3A_132] : memref<2x32x128xf32, #tpu.memory_space<vmem>> -> memref<1x32x128xf32, #tpu.memory_space<vmem>>
    %dma_wait3A_134 = tpu.memref_squeeze %dma_wait3A_133 : memref<1x32x128xf32, #tpu.memory_space<vmem>> -> memref<32x128xf32, #tpu.memory_space<vmem>>
    %dma_wait3A_135 = arith.constant 0 : i32
    %dma_wait3A_136 = arith.constant 0 : i32
    %dma_wait3A_137 = tpu.memref_slice %arg4[%select_n3A, %dma_wait3A_135, %select_n3A_130, %dma_wait3A_136] : memref<512x32x8x128xf32, #tpu.memory_space<hbm>> -> memref<1x32x1x128xf32, #tpu.memory_space<hbm>>
    %dma_wait3A_138 = tpu.memref_squeeze %dma_wait3A_137 : memref<1x32x1x128xf32, #tpu.memory_space<hbm>> -> memref<32x128xf32, #tpu.memory_space<hbm>>
    %dma_wait3A_139 = arith.constant 0 : i32
    %dma_wait3A_140 = arith.constant 0 : i32
    %dma_wait3A_141 = tpu.memref_slice %arg4[%select_n3A, %dma_wait3A_139, %select_n3A_130, %dma_wait3A_140] : memref<512x32x8x128xf32, #tpu.memory_space<hbm>> -> memref<1x32x1x128xf32, #tpu.memory_space<hbm>>
    %dma_wait3A_142 = tpu.memref_squeeze %dma_wait3A_141 : memref<1x32x1x128xf32, #tpu.memory_space<hbm>> -> memref<32x128xf32, #tpu.memory_space<hbm>>
    %dma_wait3A_143 = arith.constant 0 : i32
    %dma_wait3A_144 = arith.constant 0 : i32
    %dma_wait3A_145 = tpu.memref_slice %arg7[%dma_wait3A, %dma_wait3A_143, %dma_wait3A_144] : memref<2x32x128xf32, #tpu.memory_space<vmem>> -> memref<1x32x128xf32, #tpu.memory_space<vmem>>
    %dma_wait3A_146 = tpu.memref_squeeze %dma_wait3A_145 : memref<1x32x128xf32, #tpu.memory_space<vmem>> -> memref<32x128xf32, #tpu.memory_space<vmem>>
    tpu.wait_dma2 semaphore(%arg11 : memref<!tpu.dma_semaphore, #tpu.memory_space<semaphore_mem>>) src(%dma_wait3A_146 : memref<32x128xf32, #tpu.memory_space<vmem>>) dst(%dma_wait3A_142 : memref<32x128xf32, #tpu.memory_space<hbm>>)
    %add3A_147 = arith.constant 1 : i32
    %add3A_148 = arith.addi %sub3A_97, %add3A_147 : i32
    %jit3A_149 = arith.constant 8 : i32
    %div3A_150 = arith.divsi %add3A_148, %jit3A_149 : i32
    %sign3A_151 = arith.constant 0 : i32
    %sign3A_152 = arith.cmpi sgt, %add3A_148, %sign3A_151 : i32
    %sign3A_153 = arith.extui %sign3A_152 : i1 to i32
    %sign3A_154 = arith.constant 0 : i32
    %sign3A_155 = arith.cmpi slt, %add3A_148, %sign3A_154 : i32
    %sign3A_156 = arith.extui %sign3A_155 : i1 to i32
    %sign3A_157 = arith.subi %sign3A_153, %sign3A_156 : i32
    %sign3A_158 = arith.constant 0 : i32
    %sign3A_159 = arith.cmpi sgt, %jit3A_149, %sign3A_158 : i32
    %sign3A_160 = arith.extui %sign3A_159 : i1 to i32
    %sign3A_161 = arith.constant 0 : i32
    %sign3A_162 = arith.cmpi slt, %jit3A_149, %sign3A_161 : i32
    %sign3A_163 = arith.extui %sign3A_162 : i1 to i32
    %sign3A_164 = arith.subi %sign3A_160, %sign3A_163 : i32
    %ne3A_165 = arith.cmpi ne, %sign3A_157, %sign3A_164 : i32
    %rem3A_166 = arith.remsi %add3A_148, %jit3A_149 : i32
    %ne3A_167 = arith.constant 0 : i32
    %ne3A_168 = arith.cmpi ne, %rem3A_166, %ne3A_167 : i32
    %and3A_169 = arith.andi %ne3A_165, %ne3A_168 : i1
    %sub3A_170 = arith.constant 1 : i32
    %sub3A_171 = arith.subi %div3A_150, %sub3A_170 : i32
    %select_n3A_172 = arith.select %and3A_169, %sub3A_171, %div3A_150 : i32
    %add3A_173 = arith.constant 1 : i32
    %add3A_174 = arith.addi %sub3A_97, %add3A_173 : i32
    %jit3A_175 = arith.constant 8 : i32
    %eq3A_176 = arith.constant 0 : i32
    %eq3A_177 = arith.cmpi eq, %jit3A_175, %eq3A_176 : i32
    %jit3A_178 = arith.constant 1 : i32
    %select_n3A_179 = arith.select %eq3A_177, %jit3A_178, %jit3A_175 : i32
    %rem3A_180 = arith.remsi %add3A_174, %select_n3A_179 : i32
    %ne3A_181 = arith.constant 0 : i32
    %ne3A_182 = arith.cmpi ne, %rem3A_180, %ne3A_181 : i32
    %lt3A_183 = arith.constant 0 : i32
    %lt3A_184 = arith.cmpi slt, %rem3A_180, %lt3A_183 : i32
    %lt3A_185 = arith.constant 0 : i32
    %lt3A_186 = arith.cmpi slt, %select_n3A_179, %lt3A_185 : i32
    %ne3A_187 = arith.xori %lt3A_184, %lt3A_186 : i1
    %and3A_188 = arith.andi %ne3A_187, %ne3A_182 : i1
    %add3A_189 = arith.addi %rem3A_180, %select_n3A_179 : i32
    %select_n3A_190 = arith.select %and3A_188, %add3A_189, %rem3A_180 : i32
    %dma_wait3A_191 = arith.constant 1 : i32
    %dma_wait3A_192 = arith.constant 0 : i32
    %dma_wait3A_193 = arith.constant 0 : i32
    %dma_wait3A_194 = tpu.memref_slice %arg7[%dma_wait3A_191, %dma_wait3A_192, %dma_wait3A_193] : memref<2x32x128xf32, #tpu.memory_space<vmem>> -> memref<1x32x128xf32, #tpu.memory_space<vmem>>
    %dma_wait3A_195 = tpu.memref_squeeze %dma_wait3A_194 : memref<1x32x128xf32, #tpu.memory_space<vmem>> -> memref<32x128xf32, #tpu.memory_space<vmem>>
    %dma_wait3A_196 = arith.constant 0 : i32
    %dma_wait3A_197 = arith.constant 0 : i32
    %dma_wait3A_198 = tpu.memref_slice %arg4[%select_n3A_172, %dma_wait3A_196, %select_n3A_190, %dma_wait3A_197] : memref<512x32x8x128xf32, #tpu.memory_space<hbm>> -> memref<1x32x1x128xf32, #tpu.memory_space<hbm>>
    %dma_wait3A_199 = tpu.memref_squeeze %dma_wait3A_198 : memref<1x32x1x128xf32, #tpu.memory_space<hbm>> -> memref<32x128xf32, #tpu.memory_space<hbm>>
    %dma_wait3A_200 = arith.constant 0 : i32
    %dma_wait3A_201 = arith.constant 0 : i32
    %dma_wait3A_202 = tpu.memref_slice %arg4[%select_n3A_172, %dma_wait3A_200, %select_n3A_190, %dma_wait3A_201] : memref<512x32x8x128xf32, #tpu.memory_space<hbm>> -> memref<1x32x1x128xf32, #tpu.memory_space<hbm>>
    %dma_wait3A_203 = tpu.memref_squeeze %dma_wait3A_202 : memref<1x32x1x128xf32, #tpu.memory_space<hbm>> -> memref<32x128xf32, #tpu.memory_space<hbm>>
    %dma_wait3A_204 = arith.constant 0 : i32
    %dma_wait3A_205 = arith.constant 0 : i32
    %dma_wait3A_206 = tpu.memref_slice %arg7[%dma_wait3A_191, %dma_wait3A_204, %dma_wait3A_205] : memref<2x32x128xf32, #tpu.memory_space<vmem>> -> memref<1x32x128xf32, #tpu.memory_space<vmem>>
    %dma_wait3A_207 = tpu.memref_squeeze %dma_wait3A_206 : memref<1x32x128xf32, #tpu.memory_space<vmem>> -> memref<32x128xf32, #tpu.memory_space<vmem>>
    tpu.wait_dma2 semaphore(%arg11 : memref<!tpu.dma_semaphore, #tpu.memory_space<semaphore_mem>>) src(%dma_wait3A_207 : memref<32x128xf32, #tpu.memory_space<vmem>>) dst(%dma_wait3A_203 : memref<32x128xf32, #tpu.memory_space<hbm>>)
    return
  }
}

</mosaic_0001>

<sc_bundles>
// kernel: _sc_gather.3.cloned.1.call-start
scs
__scs_entry_jumppad:
0x0: {  	(pc) =	sbr.rel $0x88, $3  }
0x1: {  	(tag) =	ssettag $0x0;
	lr =	simm.s32 $0x1  }
0x2: {  	[smem:$0x3F9F] =	sst lr;
	_ =	strace $0xD0000000  }
0x3: {  	_ = 	snop  }
0x4: {  	_ = 	snop  }
0x5: {  	_ = 	snop  }
0x6: {  	_ = 	snop  }
0x7: {  	_ = 	snop  }
__scs_overlays_trampoline_lowered:
0x8: {  	[smem:$0x3FAE] =	sst s0  }
0x9: {  	[smem:$0x3FAF] =	sst s1  }
0xa: {  	[smem:$0x3FB0] =	sst s2  }
0xb: {  	[smem:$0x3FB1] =	sst s3  }
0xc: {  	[smem:$0x3FB2] =	sst s4  }
0xd: {  	[smem:$0x3FB3] =	sst s5  }
0xe: {  	[smem:$0x3FB4] =	sst s6  }
0xf: {  	[smem:$0x3FB5] =	sst s7  }
0x10: {  	[smem:$0x3FB6] =	sst s8  }
0x11: {  	[smem:$0x3FB7] =	sst s9;
	s0 =	simm.s32 @!p0 $0x0  }
0x12: {  	s1 =	sld [smem:$0x3F9D];
	s0 =	simm.s32 @p0 $0x1  }
0x13: {  	[smem:$0x3FB8] =	sst s0;
	s0 =	simm.s32 @!p1 $0x0  }
0x14: {  	s2 =	sld [smem:$0x3F9C];
	s0 =	simm.s32 @p1 $0x1  }
0x15: {  	[smem:$0x3FB9] =	sst s0;
	s0 =	simm.s32 @!p2 $0x0  }
0x16: {  	s3 =	sld [smem:$0x3FDB];
	s0 =	simm.s32 @p2 $0x1  }
0x17: {  	s4 =	simm.s32 $0x1BF5;
	[smem:$0x3FBB] =	sst s0  }
0x18: {  	s0 =	sld [smem:$0x3F9E];
	_ =	swait.ge [sflag:s4], $0x0  }
0x19: {  	s7 =	sld [smem:$0x3F9F]  }
0x1a: {  	s8 =	sadd.s32 $0xFFFFE003, lr  }
0x1b: {  	s9 =	sadd.s32 $0xFFFFFEF7, lr;
	s5 =	simm.s32 $0xFFFFFFFF;
	p2 =	slt.u32 s8, $0xFFFFF086  }
0x1c: {  	p1 =	slt.u32 s9, $0xF7A;
	s5 =	simm.s32 @!p2 $0x0  }
0x1d: {  	s5 =	simm.s32 @p1 $0x1;
	p0 =	seq.s32 s7, s2  }
0x1e: {  	s7 =	smul.u32 @!p0 $0xF7A, s2;
	p2 =	seq.s32 @!p0 s5, $0x0  }
0x1f: {  	s9 =	smul.u32 $0xF7A, s1;
	s8 =	simm.s32 @!p0 $0x1BF5;
	p2 =	por !p2, p0  }
0x20: {  	[sflag:s8] =	ssyncset.s32 @!p0 $0xFFFFF086;
	s6 =	sadd.s32 @!p0 s3, s7;
	s7 =	simm.s32 @!p0 $0x108  }
0x21: {  	s3 =	sadd.s32 s3, s9;
	s6 =	sadd.s32 @!p0 $0x88, s6;
	s7 =	simm.s32 @p2 $0x1082  }
0x22: {  	[simem:s7], [sflag:s8] =	dma.local @!p0 [hbm:s6], $0xF7A  }
0x23: {  	s9 =	sor.u32 $0xD0000000, s2;
	s6 =	simm.s32 $0x108;
	_ =	swait.ge @!p0 [sflag:s8], $0x0  }
0x24: {  	s3 =	sadd.s32 $0x88, s3;
	s6 =	simm.s32 @!p1 $0x1082;
	[sflag:s4] =	ssyncset.s32 $0xFFFFF086  }
0x25: {  	[simem:s6], [sflag:s4] =	dma.local [hbm:s3], $0xF7A  }
0x26: {  	[smem:$0x3F9F] =	sst s1;
	(tag) =	ssettag s2;
	_ =	strace s9  }
0x27: {  	s1 =	sld [smem:$0x3FAF]  }
0x28: {  	s2 =	sld [smem:$0x3FB0]  }
0x29: {  	s4 =	sld [smem:$0x3FB2]  }
0x2a: {  	p0 =	seq.s32 s5, $0x0;
	s5 =	sld [smem:$0x3FB3]  }
0x2b: {  	s6 =	sld [smem:$0x3FB4]  }
0x2c: {  	s7 =	sld [smem:$0x3FB5]  }
0x2d: {  	s3 =	simm.s32 $0x108;
	s8 =	sld [smem:$0x3FB6]  }
0x2e: {  	s3 =	simm.s32 @!p0 $0x1082;
	s9 =	sld [smem:$0x3FB7]  }
0x2f: {  	lr =	sadd.s32 s0, s3;
	s0 =	sld [smem:$0x3FAE]  }
0x30: {  	s3 =	sld [smem:$0x3FB1]  }
0x31: {  	[smem:$0x3FBA] =	sst s10  }
0x32: {  	s10 =	sld [smem:$0x3FB8];
	_ =	sdelay $0x3  }
0x33: {  	p0 =	seq.s32 s10, $0x1;
	s10 =	sld [smem:$0x3FBA];
	_ =	sdelay $0x3  }
0x34: {  	[smem:$0x3FBA] =	sst s10  }
0x35: {  	s10 =	sld [smem:$0x3FB9];
	_ =	sdelay $0x3  }
0x36: {  	p1 =	seq.s32 s10, $0x1;
	s10 =	sld [smem:$0x3FBA];
	_ =	sdelay $0x3  }
0x37: {  	[smem:$0x3FBA] =	sst s10  }
0x38: {  	s10 =	sld [smem:$0x3FBB]  }
0x39: {  	_ = 	snop;
	(pc) =	sbr.ind lr, $3  }
0x3a: {  	_ = 	snop  }
0x3b: {  	_ = 	snop  }
0x3c: {  	p2 =	seq.s32 s10, $0x1;
	s10 =	sld [smem:$0x3FBA]  }
0x3d: {  	_ =	shalt  }
0x3e: {  	_ =	shalt  }
0x3f: {  	_ =	shalt  }
0x40: {  	_ =	shalt  }
0x41: {  	_ =	shalt  }
0x42: {  	_ =	shalt  }
0x43: {  	_ =	shalt  }
0x44: {  	_ =	shalt  }
0x45: {  	_ =	shalt  }
0x46: {  	_ =	shalt  }
0x47: {  	_ =	shalt  }
0x48: {  	_ =	shalt  }
0x49: {  	_ =	shalt  }
0x4a: {  	_ =	shalt  }
0x4b: {  	_ =	shalt  }
0x4c: {  	_ =	shalt  }
0x4d: {  	_ =	shalt  }
0x4e: {  	_ =	shalt  }
0x4f: {  	_ =	shalt  }
0x50: {  	_ =	shalt  }
0x51: {  	_ =	shalt  }
0x52: {  	_ =	shalt  }
0x53: {  	_ =	shalt  }
0x54: {  	_ =	shalt  }
0x55: {  	_ =	shalt  }
0x56: {  	_ =	shalt  }
0x57: {  	_ =	shalt  }
0x58: {  	_ =	shalt  }
0x59: {  	_ =	shalt  }
0x5a: {  	_ =	shalt  }
0x5b: {  	_ =	shalt  }
0x5c: {  	_ =	shalt  }
0x5d: {  	_ =	shalt  }
0x5e: {  	_ =	shalt  }
0x5f: {  	_ =	shalt  }
0x60: {  	_ =	shalt  }
0x61: {  	_ =	shalt  }
0x62: {  	_ =	shalt  }
0x63: {  	_ =	shalt  }
0x64: {  	_ =	shalt  }
0x65: {  	_ =	shalt  }
0x66: {  	_ =	shalt  }
0x67: {  	_ =	shalt  }
0x68: {  	_ =	shalt  }
0x69: {  	_ =	shalt  }
0x6a: {  	_ =	shalt  }
0x6b: {  	_ =	shalt  }
0x6c: {  	_ =	shalt  }
0x6d: {  	_ =	shalt  }
0x6e: {  	_ =	shalt  }
0x6f: {  	_ =	shalt  }
0x70: {  	_ =	shalt  }
0x71: {  	_ =	shalt  }
0x72: {  	_ =	shalt  }
0x73: {  	_ =	shalt  }
0x74: {  	_ =	shalt  }
0x75: {  	_ =	shalt  }
0x76: {  	_ =	shalt  }
0x77: {  	_ =	shalt  }
0x78: {  	_ =	shalt  }
0x79: {  	_ =	shalt  }
0x7a: {  	_ =	shalt  }
0x7b: {  	_ =	shalt  }
0x7c: {  	_ =	shalt  }
0x7d: {  	_ =	shalt  }
0x7e: {  	_ =	shalt  }
0x7f: {  	_ =	shalt  }
0x80: {  	_ =	shalt  }
0x81: {  	_ =	shalt  }
0x82: {  	_ =	shalt  }
0x83: {  	_ =	shalt  }
0x84: {  	_ =	shalt  }
0x85: {  	_ =	shalt  }
0x86: {  	_ =	shalt  }
0x87: {  	_ =	shalt  }
.Lfunc_end0:
.L_simem_size_0:
called_computation_lowered:
.L_overlay_start_0:
0x88: {  	s2 =	sld [smem:$0x3FD9]  }
0x89: {  	s3 =	sld [smem:$0x3FFE];
	_ =	sdelay $0x1  }
0x8a: {  	s1 =	srdreg.scid  }
0x8b: {  	s0 =	sand.u32 $0x1, s1  }
0x8c: {  	s17 =	sshll.u32 s0, $0xA;
	s2 =	sadd.s32 s3, s2  }
0x8d: {  	s2 =	sadd.s32 s2, s17  }
0x8e: {  	[smem:$0x3FC6] =	sst s2  }
0x8f: {  	_ = 	snop  }
0x90: {  	s2 =	sld [smem:$0x3FD0];
	(tm) =	ssettm $0x1  }
0x91: {  	s18 =	sld [smem:$0x3FFB];
	_ =	sdelay $0x3  }
0x92: {  	_ =	strace s18  }
0x93: {  	s3 =	sld [smem:$0x3FFC];
	_ =	sdelay $0x3  }
0x94: {  	_ =	strace s3  }
0x95: {  	s3 =	sld [smem:$0x3FFD];
	_ =	sdelay $0x3  }
0x96: {  	_ =	strace s3  }
0x97: {  	_ =	strace $0x8FFFFFFF  }
0x98: {  	s19 =	sld [smem:$0x3FDB];
	_ =	sdelay $0x1  }
0x99: {  	s4 =	simm.s32 $_scs_section_size  }
0x9a: {  	s5 =	simm.s32 $_size__tile_overlayer_lowered;
	s6 =	simm.s32 $_tile_overlayer_lowered  }
0x9b: {  	s22 =	simm.s32 $0x1BFF;
	s21 =	sshll.u32 s6, $0x1;
	s3 =	sadd.s32 s4, s19  }
0x9c: {  	s7 =	simm.s32 $0x0;
	s20 =	sshll.u32 s5, $0x1;
	s5 =	sadd.s32 s21, s3  }
0x9d: {  	[timem:s7], [sflag:s22] =	dma.local [hbm:s5], s20  }
0x9e: {  	_ =	swait.ge [sflag:s22], s20  }
0x9f: {  	s4 =	ssub.s32 $0x0, s20;
	[sflag:s22] =	ssyncset.done $0x0  }
0xa0: {  	[sflag:s22] =	ssyncadd.s32 s4;
	_ =	sdelay $0x1  }
0xa1: {  	s23 =	simm.s32 $0x1B8B  }
0xa2: {  	_ =	swait.ge [sflag:s23], $0x1  }
0xa3: {  	[sflag:s23] =	ssyncset.done $0x0  }
0xa4: {  	s25 =	simm.s32 $0x1B8E;
	s24 =	sld [smem:$0x3FFE];
	[sflag:s23] =	ssyncadd.s32 $0xFFFFFFFF  }
0xa5: {  	s26 =	simm.s32 $execute0_lowered;
	[smem:$0x3FD2] =	sst s25  }
0xa6: {  	s5 =	sshll.u32 s26, $0x1;
	_ =	strace $0x80000046;
	[dreg:$0x1] =	wrdreg $0xFFFFFFFF  }
0xa7: {  	s28 =	simm.s32 $_size_execute0_lowered;
	s3 =	sadd.s32 s3, s5;
	[dreg:$0x0] =	wrdreg $0x0  }
0xa8: {  	s5 =	sshll.u32 s28, $0x1;
	[dreg:$0x2] =	wrdreg s3  }
0xa9: {  	[dreg:$0x3] =	wrdreg s5  }
0xaa: {  	[dreg:$0x4] =	wrdreg $0xC0  }
0xab: {  	_ =	task [dreg:s7], $0x5FFFF  }
0xac: {  	[dreg:$0x1] =	wrdreg $0xFFFFFFFF  }
0xad: {  	[dreg:$0x0] =	wrdreg $0x60  }
0xae: {  	[dreg:$0x2] =	wrdreg s24  }
0xaf: {  	[dreg:$0x3] =	wrdreg s2  }
0xb0: {  	[dreg:$0x4] =	wrdreg $0xB0000  }
0xb1: {  	[dreg:$0x5] =	wrdreg $0x9  }
0xb2: {  	_ =	task.clear_ibuf [dreg:s7], $0x6FFFF;
	_ =	strace $0x90000046  }
0xb3: {  	s29 =	simm.s32 $0x9;
	_ =	strace $0x80000048  }
0xb4: {  	_ =	swait.ge [sflag:s29], $0x1  }
0xb5: {  	[sflag:s29] =	ssyncadd.s32 $0xFFFFFFFF  }
0xb6: {  	_ =	strace $0x90000048  }
0xb7: {  	_ =	sfence  }
0xb8: {  	s30 =	sld [smem:$0x0];
	_ =	sdelay $0x2  }
0xb9: {  	s31 =	sshll.u32 s1, $0xD;
	s1 =	sshrl.u32 s1, $0x2  }
0xba: {  	s3 =	sand.u32 $0x4000, s31;
	s1 =	sadd.s32 s1, s30  }
0xbb: {  	s0 =	sor.u32 s3, s0;
	s1 =	sshll.u32 s1, $0x11  }
0xbc: {  	s0 =	sor.u32 s1, s0  }
0xbd: {  	s0 =	sadd.s32 $0x8F2B, s0  }
0xbe: {  	[sflag:s0] =	ssyncadd.remote.s32 $0x1  }
0xbf: {  	_ =	sfence.sel $0xFFFF  }
0xc0: {  	[dreg:$0x0] =	wrdreg $0xFFFFFFFF;
	(pc) =	sbr.abs _section_cstart, $3  }
0xc1: {  	[dreg:$0x1] =	wrdreg $0xFFFFFFFF  }
0xc2: {  	_ =	task.clear_ibuf [dreg:s7], $0x2FFFF;
	_ =	strace $0x9FFFFFFF  }
0xc3: {  	(tm) =	ssettm $0x7FFFFFFF  }
tec
execute0_lowered:
.L_overlay_start_1:
0x0: {  	(tag) =	ssettag $0x1  }
0x1: {  	s0 =	rddreg [dreg:$0x0]  }
0x2: {  	s1 =	rddreg [dreg:$0x1]  }
0x3: {  	s2 =	rddreg [dreg:$0x2]  }
0x4: {  	s3 =	srdreg.scid;
	s10 =	stileid.u32;
	s13 =	simm.s32 $0x4  }
0x5: {  	s14 =	simm.s32 $0x400;
	s15 =	simm.s32 $0x1000;
	s17 =	simm.s32 $0x800  }
0x6: {  	s19 =	simm.s32 $0xC00;
	s20 =	simm.s32 $0x1;
	s21 =	simm.s32 $0x2  }
0x7: {  	s22 =	simm.s32 $0x3;
	s23 =	simm.s32 $0x80;
	s24 =	simm.s32 $0x0  }
0x8: {  	s5 =	sand.u32 $0x1, s3;
	s3 =	simm.s32 $0x0;
	s4 =	sshll.u32 s10, $0x8  }
0x9: {  	p0 =	sne.s32 s10, $0x0;
	s10 =	sadd.s32 $0x800, s0;
	s6 =	sshll.u32 s5, $0x7  }
0xa: {  	v2 =	vlaneseq.u32;
	[smem:$0x7FF] =	sst s3;
	s7 =	ssub.s32 $0x2, s5;
	s4 =	sor.u32 s6, s4  }
0xb: {  	v0 =	vshrl.u32 v2, $0x3;
	s5 =	sadd.s32 $0x80600, s0;
	s31 =	sshrl.u32 s7, $0x1;
	s6 =	sshll.u32 s4, $0x7  }
0xc: {  	v1 =	vand.u32 $0x1, v2;
	s12 =	sshrl.u32 @!p0 s2, $0x3;
	v0 =	vmul.u32 $0x10, v0;
	s11 =	ssub.s32 s7, s31;
	s9 =	sadd.s32 s6, s0  }
0xd: {  	v1 =	vmul.u32 $0x10000, v1;
	_ =	strace $0x80000047;
	s11 =	smax.u32 s11, $0x1;
	s6 =	sadd.s32 $0x600, s9  }
0xe: {  	v2 =	vand.u32 $0x7, v2;
	v3 =	vor.u32 $0x8, v0;
	s7 =	sadd.s32 $0x680, s9;
	s8 =	sadd.s32 $0x700, s9;
	s9 =	sadd.s32 $0x780, s9  }
.LBB2_1:
0xf: {  	s0 =	simm.s32 @!p0 $0x1C04  }
0x10: {  	[spmem:s12], [sflag:s0] =	dma.local @!p0 [hbm:s5], $0x20000  }
0x11: {  	s0 =	simm.s32 @!p0 $0x4  }
0x12: {  	_ =	swait.ge @!p0 [sflag:s0], $0x20000  }
0x13: {  	[sflag:s0] =	ssyncset.done @!p0 $0x0  }
0x14: {  	[sflag:s0] =	ssyncadd.s32 @!p0 $0xFFFE0000  }
0x15: {  	[bflag:$0x0] =	sbarrier.arrive $0xFFFF  }
0x16: {  	[tilespmem:s3], [sflag:$0x4] =	stream.linear.gather [hbm4b:s6+s3], $0x400, $0x38;
	[tilespmem:$0x1B000] =	vst v63  }
0x17: {  	_ =	swait.ge [sflag:s13], $0x400  }
0x18: {  	[sflag:s13] =	ssyncset.done $0x0  }
0x19: {  	s0 =	simm.s32 $0x40;
	[sflag:s13] =	ssyncadd.s32 $0xFFFFFC00  }
0x1a: {  	v6 =	vld [tilespmem:s0+$0xFFFFFFC0]  }
0x1b: {  	v7 =	vld [tilespmem:s0+$0xFFFFFFD0]  }
0x1c: {  	v8 =	vld [tilespmem:s0+$0xFFFFFFE0]  }
0x1d: {  	v5 =	vld [tilespmem:s0+$0x0]  }
0x1e: {  	v4 =	vld [tilespmem:s0+$0x10]  }
0x1f: {  	v9 =	vadd.s32 v1, v6;
	v6 =	vld [tilespmem:s0+$0x20]  }
0x20: {  	[tilespmem:s0+$0xFFFFFFC0] =	vst v9;
	v9 =	vadd.s32 v1, v7;
	v7 =	vld [tilespmem:s0+$0x30]  }
0x21: {  	s16 =	simm.s32 $0x0;
	s25 =	simm.s32 $0xC0;
	[tilespmem:s0+$0xFFFFFFD0] =	vst v9;
	v9 =	vadd.s32 v1, v8;
	v8 =	vld [tilespmem:s0+$0xFFFFFFF0]  }
.LBB2_2:
0x22: {  	v10 =	vld [tilespmem:s25+$0xFFFFFFC0];
	[tilespmem:s0+$0xFFFFFFE0] =	vst v9;
	v5 =	vadd.s32 v1, v5  }
0x23: {  	s16 =	sadd.s32 $0x8, s16;
	v9 =	vld [tilespmem:s25+$0xFFFFFFD0];
	[tilespmem:s0+$0x0] =	vst v5;
	v4 =	vadd.s32 v1, v4  }
0x24: {  	p1 =	slt.u32 s16, $0x38;
	v11 =	vld [tilespmem:s25+$0xFFFFFFE0];
	[tilespmem:s0+$0x10] =	vst v4;
	v4 =	vadd.s32 v1, v6  }
.Ltmp0:
0x25: {  	v5 =	vld [tilespmem:s25+$0x0];
	[tilespmem:s0+$0x20] =	vst v4;
	v6 =	vadd.s32 v1, v7;
	(pc) =	sbr.rel @p1 .LBB2_2-.Ltmp0, $4  }
0x26: {  	v4 =	vld [tilespmem:s25+$0x10];
	v7 =	vadd.s32 v1, v8;
	[tilespmem:s0+$0x30] =	vst v6  }
0x27: {  	v8 =	vadd.s32 v1, v10;
	v6 =	vld [tilespmem:s25+$0x20];
	[tilespmem:s0+$0xFFFFFFF0] =	vst v7;
	s0 =	smov.u32 s25  }
0x28: {  	[tilespmem:s25+$0xFFFFFFC0] =	vst v8;
	v8 =	vadd.s32 v1, v9;
	v7 =	vld [tilespmem:s25+$0x30]  }
0x29: {  	s25 =	sadd.s32 $0x80, s25;
	[tilespmem:s0+$0xFFFFFFD0] =	vst v8;
	v9 =	vadd.s32 v1, v11;
	v8 =	vld [tilespmem:s0+$0xFFFFFFF0]  }
0x2a: {  	[tilespmem:s0+$0xFFFFFFE0] =	vst v9;
	v5 =	vadd.s32 v1, v5  }
0x2b: {  	[tilespmem:s0+$0x0] =	vst v5;
	v4 =	vadd.s32 v1, v4  }
0x2c: {  	[tilespmem:s0+$0x10] =	vst v4;
	v4 =	vadd.s32 v1, v6  }
0x2d: {  	[tilespmem:s0+$0x20] =	vst v4;
	v4 =	vadd.s32 v1, v7  }
0x2e: {  	v5 =	vadd.s32 v1, v8;
	[tilespmem:s0+$0x30] =	vst v4  }
0x2f: {  	[tilespmem:s0+$0xFFFFFFF0] =	vst v5  }
0x30: {  	[tilespmem:s15], [sflag:$0x2] =	stream.indirect.gather [spmem:s2], $0x8, s3, s14, $0xb8;
	[tilespmem:$0x1B000] =	vst v63  }
0x31: {  	_ = 	snop  }
0x32: {  	[tilespmem:s14], [sflag:$0x4] =	stream.linear.gather [hbm4b:s7+s3], $0x400, $0x38;
	[tilespmem:$0x1B000] =	vst v63  }
0x33: {  	_ =	swait.ge [sflag:s13], $0x400  }
0x34: {  	[sflag:s13] =	ssyncset.done $0x0  }
0x35: {  	s0 =	simm.s32 $0x470;
	[sflag:s13] =	ssyncadd.s32 $0xFFFFFC00  }
0x36: {  	v6 =	vld [tilespmem:s0+$0xFFFFFF90]  }
0x37: {  	v7 =	vld [tilespmem:s0+$0xFFFFFFA0]  }
0x38: {  	v8 =	vld [tilespmem:s0+$0xFFFFFFB0]  }
0x39: {  	v5 =	vld [tilespmem:s0+$0xFFFFFFC0]  }
0x3a: {  	v4 =	vld [tilespmem:s0+$0xFFFFFFD0]  }
0x3b: {  	v9 =	vadd.s32 v1, v6;
	v6 =	vld [tilespmem:s0+$0xFFFFFFE0]  }
0x3c: {  	[tilespmem:s0+$0xFFFFFF90] =	vst v9;
	v9 =	vadd.s32 v1, v7;
	v7 =	vld [tilespmem:s0+$0x0]  }
0x3d: {  	s16 =	simm.s32 $0x0;
	s25 =	simm.s32 $0x4F0;
	[tilespmem:s0+$0xFFFFFFA0] =	vst v9;
	v9 =	vadd.s32 v1, v8;
	v8 =	vld [tilespmem:s0+$0xFFFFFFF0]  }
.LBB2_4:
0x3e: {  	v10 =	vld [tilespmem:s25+$0xFFFFFF90];
	[tilespmem:s0+$0xFFFFFFB0] =	vst v9;
	v5 =	vadd.s32 v1, v5  }
0x3f: {  	s16 =	sadd.s32 $0x8, s16;
	v9 =	vld [tilespmem:s25+$0xFFFFFFA0];
	[tilespmem:s0+$0xFFFFFFC0] =	vst v5;
	v4 =	vadd.s32 v1, v4  }
0x40: {  	p1 =	slt.u32 s16, $0x38;
	v11 =	vld [tilespmem:s25+$0xFFFFFFB0];
	[tilespmem:s0+$0xFFFFFFD0] =	vst v4;
	v4 =	vadd.s32 v1, v6  }
.Ltmp1:
0x41: {  	v5 =	vld [tilespmem:s25+$0xFFFFFFC0];
	[tilespmem:s0+$0xFFFFFFE0] =	vst v4;
	v6 =	vadd.s32 v1, v7;
	(pc) =	sbr.rel @p1 .LBB2_4-.Ltmp1, $4  }
0x42: {  	v4 =	vld [tilespmem:s25+$0xFFFFFFD0];
	v7 =	vadd.s32 v1, v8;
	[tilespmem:s0+$0x0] =	vst v6  }
0x43: {  	v8 =	vadd.s32 v1, v10;
	v6 =	vld [tilespmem:s25+$0xFFFFFFE0];
	[tilespmem:s0+$0xFFFFFFF0] =	vst v7;
	s0 =	smov.u32 s25  }
0x44: {  	[tilespmem:s25+$0xFFFFFF90] =	vst v8;
	v8 =	vadd.s32 v1, v9;
	v7 =	vld [tilespmem:s25+$0x0]  }
0x45: {  	s25 =	sadd.s32 $0x80, s25;
	[tilespmem:s0+$0xFFFFFFA0] =	vst v8;
	v9 =	vadd.s32 v1, v11;
	v8 =	vld [tilespmem:s0+$0xFFFFFFF0]  }
0x46: {  	[tilespmem:s0+$0xFFFFFFB0] =	vst v9;
	v5 =	vadd.s32 v1, v5  }
0x47: {  	[tilespmem:s0+$0xFFFFFFC0] =	vst v5;
	v4 =	vadd.s32 v1, v4  }
0x48: {  	[tilespmem:s0+$0xFFFFFFD0] =	vst v4;
	v4 =	vadd.s32 v1, v6  }
0x49: {  	[tilespmem:s0+$0xFFFFFFE0] =	vst v4;
	v4 =	vadd.s32 v1, v7  }
0x4a: {  	v5 =	vadd.s32 v1, v8;
	[tilespmem:s0+$0x0] =	vst v4  }
0x4b: {  	s31 =	simm.s32 $0x3000;
	[tilespmem:s0+$0xFFFFFFF0] =	vst v5  }
0x4c: {  	[tilespmem:s31], [sflag:$0x2] =	stream.indirect.gather [spmem:s2], $0x8, s14, s14, $0xb8;
	[tilespmem:$0x1B000] =	vst v63  }
0x4d: {  	_ = 	snop  }
0x4e: {  	[tilespmem:s17], [sflag:$0x4] =	stream.linear.gather [hbm4b:s8+s3], $0x400, $0x38;
	[tilespmem:$0x1B000] =	vst v63  }
0x4f: {  	_ =	swait.ge [sflag:s13], $0x400  }
0x50: {  	[sflag:s13] =	ssyncset.done $0x0  }
0x51: {  	s0 =	simm.s32 $0x870;
	[sflag:s13] =	ssyncadd.s32 $0xFFFFFC00  }
0x52: {  	v6 =	vld [tilespmem:s0+$0xFFFFFF90]  }
0x53: {  	v7 =	vld [tilespmem:s0+$0xFFFFFFA0]  }
0x54: {  	v8 =	vld [tilespmem:s0+$0xFFFFFFB0]  }
0x55: {  	v5 =	vld [tilespmem:s0+$0xFFFFFFC0]  }
0x56: {  	v4 =	vld [tilespmem:s0+$0xFFFFFFD0]  }
0x57: {  	v9 =	vadd.s32 v1, v6;
	v6 =	vld [tilespmem:s0+$0xFFFFFFE0]  }
0x58: {  	[tilespmem:s0+$0xFFFFFF90] =	vst v9;
	v9 =	vadd.s32 v1, v7;
	v7 =	vld [tilespmem:s0+$0x0]  }
0x59: {  	s16 =	simm.s32 $0x0;
	s25 =	simm.s32 $0x8F0;
	[tilespmem:s0+$0xFFFFFFA0] =	vst v9;
	v9 =	vadd.s32 v1, v8;
	v8 =	vld [tilespmem:s0+$0xFFFFFFF0]  }
.LBB2_6:
0x5a: {  	v10 =	vld [tilespmem:s25+$0xFFFFFF90];
	[tilespmem:s0+$0xFFFFFFB0] =	vst v9;
	v5 =	vadd.s32 v1, v5  }
0x5b: {  	s16 =	sadd.s32 $0x8, s16;
	v9 =	vld [tilespmem:s25+$0xFFFFFFA0];
	[tilespmem:s0+$0xFFFFFFC0] =	vst v5;
	v4 =	vadd.s32 v1, v4  }
0x5c: {  	p1 =	slt.u32 s16, $0x38;
	v11 =	vld [tilespmem:s25+$0xFFFFFFB0];
	[tilespmem:s0+$0xFFFFFFD0] =	vst v4;
	v4 =	vadd.s32 v1, v6  }
.Ltmp2:
0x5d: {  	v5 =	vld [tilespmem:s25+$0xFFFFFFC0];
	[tilespmem:s0+$0xFFFFFFE0] =	vst v4;
	v6 =	vadd.s32 v1, v7;
	(pc) =	sbr.rel @p1 .LBB2_6-.Ltmp2, $4  }
0x5e: {  	v4 =	vld [tilespmem:s25+$0xFFFFFFD0];
	v7 =	vadd.s32 v1, v8;
	[tilespmem:s0+$0x0] =	vst v6  }
0x5f: {  	v8 =	vadd.s32 v1, v10;
	v6 =	vld [tilespmem:s25+$0xFFFFFFE0];
	[tilespmem:s0+$0xFFFFFFF0] =	vst v7;
	s0 =	smov.u32 s25  }
0x60: {  	[tilespmem:s25+$0xFFFFFF90] =	vst v8;
	v8 =	vadd.s32 v1, v9;
	v7 =	vld [tilespmem:s25+$0x0]  }
0x61: {  	s25 =	sadd.s32 $0x80, s25;
	[tilespmem:s0+$0xFFFFFFA0] =	vst v8;
	v9 =	vadd.s32 v1, v11;
	v8 =	vld [tilespmem:s0+$0xFFFFFFF0]  }
0x62: {  	[tilespmem:s0+$0xFFFFFFB0] =	vst v9;
	v5 =	vadd.s32 v1, v5  }
0x63: {  	[tilespmem:s0+$0xFFFFFFC0] =	vst v5;
	v4 =	vadd.s32 v1, v4  }
0x64: {  	[tilespmem:s0+$0xFFFFFFD0] =	vst v4;
	v4 =	vadd.s32 v1, v6  }
0x65: {  	[tilespmem:s0+$0xFFFFFFE0] =	vst v4;
	v4 =	vadd.s32 v1, v7  }
0x66: {  	v5 =	vadd.s32 v1, v8;
	[tilespmem:s0+$0x0] =	vst v4  }
0x67: {  	s31 =	simm.s32 $0x5000;
	[tilespmem:s0+$0xFFFFFFF0] =	vst v5  }
0x68: {  	[tilespmem:s31], [sflag:$0x2] =	stream.indirect.gather [spmem:s2], $0x8, s17, s14, $0xb8;
	[tilespmem:$0x1B000] =	vst v63  }
0x69: {  	s25 =	simm.s32 $0x0;
	s26 =	simm.s32 $0x3;
	p1 =	por $0x0, $0x0  }
0x6a: {  	[tilespmem:s19], [sflag:$0x1] =	stream.linear.gather [hbm4b:s9+s25], $0x400, $0x38;
	[tilespmem:$0x1B000] =	vst v63  }
.LBB2_8:
0x6b: {  	p2 =	sgt.u32 s25, $0x7B  }
.Ltmp3:
0x6c: {  	_ = 	snop;
	(pc) =	sbr.rel @p2 .LBB2_10-.Ltmp3, $4  }
0x6d: {  	_ = 	snop  }
0x6e: {  	_ =	swait.ge [sflag:s21], $0x2000  }
0x6f: {  	[sflag:s21] =	ssyncset.done $0x0  }
0x70: {  	s28 =	sor.u32 s4, s25;
	s0 =	sand.u32 $0x3, s25;
	[sflag:s21] =	ssyncadd.s32 $0xFFFFE000  }
.Ltmp4:
0x71: {  	(pc) =	sbr.rel .LBB2_11-.Ltmp4, $4  }
0x72: {  	_ = 	snop  }
0x73: {  	s16 =	sshll.u32 s28, $0x7  }
0x74: {  	s18 =	sshll.u32 s0, $0xA;
	s16 =	sadd.s32 s16, s10  }
0x75: {  	[tilespmem:s18], [sflag:$0x1] =	stream.linear.gather [hbm4b:s16+s3], $0x400, $0x38;
	[tilespmem:$0x1B000] =	vst v63  }
.LBB2_10:
0x76: {  	p2 =	sne.s32 s25, $0x7C  }
.Ltmp5:
0x77: {  	_ = 	snop;
	(pc) =	sbr.rel @p2 .LBB2_14-.Ltmp5, $1  }
0x78: {  	_ =	sdelay $0x3  }
.LBB2_11:
0x79: {  	s16 =	sand.u32 $0x3, s26;
	_ =	swait.ge [sflag:s20], $0x400  }
0x7a: {  	s16 =	sshll.u32 s16, $0xA;
	[sflag:s20] =	ssyncset.done $0x0  }
0x7b: {  	s16 =	sor.u32 $0x40, s16;
	[sflag:s20] =	ssyncadd.s32 $0xFFFFFC00  }
0x7c: {  	v6 =	vld [tilespmem:s16+$0xFFFFFFC0]  }
0x7d: {  	v7 =	vld [tilespmem:s16+$0xFFFFFFD0]  }
0x7e: {  	v8 =	vld [tilespmem:s16+$0xFFFFFFE0]  }
0x7f: {  	v5 =	vld [tilespmem:s16+$0x0]  }
0x80: {  	v4 =	vld [tilespmem:s16+$0x10]  }
0x81: {  	s18 =	sadd.s32 $0xFFFFFFFF, s25;
	v9 =	vadd.s32 v1, v6;
	v6 =	vld [tilespmem:s16+$0x20]  }
0x82: {  	s29 =	sand.u32 $0x3, s18;
	[tilespmem:s16+$0xFFFFFFC0] =	vst v9;
	v9 =	vadd.s32 v1, v7;
	v7 =	vld [tilespmem:s16+$0x30]  }
0x83: {  	s31 =	simm.s32 $0x0;
	s30 =	sshll.u32 s29, $0xA;
	s18 =	sadd.s32 $0x80, s16;
	[tilespmem:s16+$0xFFFFFFD0] =	vst v9;
	v9 =	vadd.s32 v1, v8;
	v8 =	vld [tilespmem:s16+$0xFFFFFFF0]  }
.LBB2_12:
0x84: {  	v10 =	vld [tilespmem:s18+$0xFFFFFFC0];
	[tilespmem:s16+$0xFFFFFFE0] =	vst v9;
	v5 =	vadd.s32 v1, v5  }
0x85: {  	s31 =	sadd.s32 $0x8, s31;
	v9 =	vld [tilespmem:s18+$0xFFFFFFD0];
	[tilespmem:s16+$0x0] =	vst v5;
	v4 =	vadd.s32 v1, v4  }
0x86: {  	p2 =	slt.u32 s31, $0x38;
	v11 =	vld [tilespmem:s18+$0xFFFFFFE0];
	[tilespmem:s16+$0x10] =	vst v4;
	v4 =	vadd.s32 v1, v6  }
.Ltmp6:
0x87: {  	v5 =	vld [tilespmem:s18+$0x0];
	[tilespmem:s16+$0x20] =	vst v4;
	v6 =	vadd.s32 v1, v7;
	(pc) =	sbr.rel @p2 .LBB2_12-.Ltmp6, $4  }
0x88: {  	v4 =	vld [tilespmem:s18+$0x10];
	v7 =	vadd.s32 v1, v8;
	[tilespmem:s16+$0x30] =	vst v6  }
0x89: {  	v8 =	vadd.s32 v1, v10;
	v6 =	vld [tilespmem:s18+$0x20];
	[tilespmem:s16+$0xFFFFFFF0] =	vst v7;
	s16 =	smov.u32 s18  }
0x8a: {  	[tilespmem:s18+$0xFFFFFFC0] =	vst v8;
	v8 =	vadd.s32 v1, v9;
	v7 =	vld [tilespmem:s18+$0x30]  }
0x8b: {  	s18 =	sadd.s32 $0x80, s18;
	[tilespmem:s16+$0xFFFFFFD0] =	vst v8;
	v9 =	vadd.s32 v1, v11;
	v8 =	vld [tilespmem:s16+$0xFFFFFFF0]  }
0x8c: {  	[tilespmem:s16+$0xFFFFFFE0] =	vst v9;
	v5 =	vadd.s32 v1, v5  }
0x8d: {  	p2 =	slt.u32 s25, $0x2;
	[tilespmem:s16+$0x0] =	vst v5;
	v4 =	vadd.s32 v1, v4  }
.Ltmp7:
0x8e: {  	[tilespmem:s16+$0x10] =	vst v4;
	v4 =	vadd.s32 v1, v6;
	(pc) =	sbr.rel @p2 .LBB2_15-.Ltmp7, $4  }
0x8f: {  	[tilespmem:s16+$0x20] =	vst v4;
	v4 =	vadd.s32 v1, v7  }
0x90: {  	s18 =	sshll.u32 s29, $0xD;
	v5 =	vadd.s32 v1, v8;
	[tilespmem:s16+$0x30] =	vst v4  }
0x91: {  	s31 =	sor.u32 $0x1000, s18;
	[tilespmem:s16+$0xFFFFFFF0] =	vst v5  }
0x92: {  	[tilespmem:s31], [sflag:$0x2] =	stream.indirect.gather [spmem:s2], $0x8, s30, s14, $0xb8;
	[tilespmem:$0x1B000] =	vst v63  }
.LBB2_14:
0x93: {  	_ =	swait.ge [sflag:s22], $0x1000  }
0x94: {  	[sflag:s22] =	ssyncset.done $0x0  }
0x95: {  	[sflag:s22] =	ssyncadd.s32 $0xFFFFF000  }
.LBB2_15:
0x96: {  	s29 =	simm.s32 $0x0  }
0x97: {  	v4 =	vmov s29  }
0x98: {  	s0 =	sshll.u32 s0, $0xD;
	v5 =	vshll.u32 v4, $0x3  }
0x99: {  	v4 =	vor.u32 s0, v2;
	v6 =	vor.u32 v0, v5  }
0x9a: {  	v5 =	vor.u32 v3, v5;
	v6 =	vadd.s32 v4, v6  }
0x9b: {  	v5 =	vadd.s32 v4, v5;
	_ =	sdelay $0x3  }
0x9c: {  	s16 =	simm.s32 $0x4;
	v6 =	vld.idx.msk [tilespmem:v6+s15+$0x0], $0xffff  }
0x9d: {  	v7 =	vmov s16;
	v5 =	vld.idx.msk [tilespmem:v5+s15+$0x0], $0xffff  }
0x9e: {  	v7 =	vshll.u32 v7, $0x3  }
0x9f: {  	v8 =	vor.u32 v0, v7  }
0xa0: {  	s0 =	simm.s32 $0x1;
	v7 =	vor.u32 v3, v7;
	v8 =	vadd.s32 v4, v8  }
0xa1: {  	s0 =	simm.s32 @!p1 $0x0;
	v7 =	vadd.s32 v4, v7  }
0xa2: {  	s0 =	sshll.u32 s0, $0xC;
	v5 =	vadd.f32 v5, v6  }
0xa3: {  	s30 =	sadd.s32 $0x9040, s0  }
0xa4: {  	[tilespmem:s30+$0xFFFFFFC0] =	vst v5  }
0xa5: {  	s18 =	simm.s32 $0x8;
	v5 =	vld.idx.msk [tilespmem:v8+s15+$0x0], $0xffff  }
0xa6: {  	v6 =	vld.idx.msk [tilespmem:v7+s15+$0x0], $0xffff;
	v7 =	vmov s18  }
0xa7: {  	v7 =	vshll.u32 v7, $0x3  }
0xa8: {  	v8 =	vor.u32 v0, v7  }
0xa9: {  	v7 =	vor.u32 v3, v7;
	v8 =	vadd.s32 v4, v8  }
0xaa: {  	v7 =	vadd.s32 v4, v7  }
0xab: {  	v5 =	vadd.f32 v6, v5;
	_ =	sdelay $0x1  }
0xac: {  	[tilespmem:s30+$0xFFFFFFD0] =	vst v5  }
0xad: {  	s16 =	simm.s32 $0xC;
	v5 =	vld.idx.msk [tilespmem:v8+s15+$0x0], $0xffff  }
0xae: {  	v6 =	vld.idx.msk [tilespmem:v7+s15+$0x0], $0xffff;
	v7 =	vmov s16  }
0xaf: {  	v7 =	vshll.u32 v7, $0x3  }
0xb0: {  	v8 =	vor.u32 v0, v7  }
0xb1: {  	v7 =	vor.u32 v3, v7;
	v8 =	vadd.s32 v4, v8  }
0xb2: {  	v7 =	vadd.s32 v4, v7  }
0xb3: {  	v5 =	vadd.f32 v6, v5;
	_ =	sdelay $0x1  }
0xb4: {  	[tilespmem:s30+$0xFFFFFFE0] =	vst v5  }
0xb5: {  	s18 =	simm.s32 $0x10;
	v5 =	vld.idx.msk [tilespmem:v8+s15+$0x0], $0xffff  }
0xb6: {  	v6 =	vld.idx.msk [tilespmem:v7+s15+$0x0], $0xffff;
	v7 =	vmov s18  }
0xb7: {  	v7 =	vshll.u32 v7, $0x3  }
0xb8: {  	v8 =	vor.u32 v0, v7  }
0xb9: {  	v7 =	vor.u32 v3, v7;
	v8 =	vadd.s32 v4, v8  }
0xba: {  	v7 =	vadd.s32 v4, v7  }
0xbb: {  	v5 =	vadd.f32 v6, v5;
	_ =	sdelay $0x1  }
0xbc: {  	[tilespmem:s30+$0xFFFFFFF0] =	vst v5  }
0xbd: {  	s16 =	simm.s32 $0x14;
	v5 =	vld.idx.msk [tilespmem:v8+s15+$0x0], $0xffff  }
0xbe: {  	v6 =	vld.idx.msk [tilespmem:v7+s15+$0x0], $0xffff;
	v7 =	vmov s16  }
0xbf: {  	v7 =	vshll.u32 v7, $0x3  }
0xc0: {  	v8 =	vor.u32 v0, v7  }
0xc1: {  	v7 =	vor.u32 v3, v7;
	v8 =	vadd.s32 v4, v8  }
0xc2: {  	v7 =	vadd.s32 v4, v7  }
0xc3: {  	v5 =	vadd.f32 v6, v5;
	_ =	sdelay $0x1  }
0xc4: {  	[tilespmem:s30+$0x0] =	vst v5  }
0xc5: {  	s18 =	simm.s32 $0x18;
	v5 =	vld.idx.msk [tilespmem:v8+s15+$0x0], $0xffff  }
0xc6: {  	v6 =	vld.idx.msk [tilespmem:v7+s15+$0x0], $0xffff;
	v7 =	vmov s18  }
0xc7: {  	v7 =	vshll.u32 v7, $0x3  }
0xc8: {  	v8 =	vor.u32 v0, v7  }
0xc9: {  	v7 =	vor.u32 v3, v7;
	v8 =	vadd.s32 v4, v8  }
0xca: {  	v7 =	vadd.s32 v4, v7  }
0xcb: {  	v5 =	vadd.f32 v6, v5;
	_ =	sdelay $0x1  }
0xcc: {  	[tilespmem:s30+$0x10] =	vst v5  }
0xcd: {  	v5 =	vld.idx.msk [tilespmem:v8+s15+$0x0], $0xffff  }
0xce: {  	v6 =	vld.idx.msk [tilespmem:v7+s15+$0x0], $0xffff  }
0xcf: {  	s16 =	simm.s32 $0x1C  }
0xd0: {  	v7 =	vmov s16  }
0xd1: {  	v7 =	vshll.u32 v7, $0x3  }
0xd2: {  	v8 =	vor.u32 v0, v7  }
0xd3: {  	v8 =	vadd.s32 v4, v8;
	v5 =	vadd.f32 v6, v5;
	v6 =	vor.u32 v3, v7  }
0xd4: {  	v6 =	vadd.s32 v4, v6;
	_ =	sdelay $0x1  }
0xd5: {  	s18 =	sshll.u32 s25, $0xC  }
0xd6: {  	s0 =	sand.u32 $0x1000, s18;
	[tilespmem:s30+$0x20] =	vst v5  }
0xd7: {  	s31 =	sadd.s32 $0x9000, s0;
	s0 =	smov.u32 s30;
	s16 =	simm.s32 $0x0;
	v5 =	vld.idx.msk [tilespmem:v8+s15+$0x0], $0xffff  }
.LBB2_16:
0xd8: {  	s16 =	sadd.s32 $0x8, s16;
	v6 =	vld.idx.msk [tilespmem:v6+s15+$0x0], $0xffff;
	s29 =	sadd.s32 $0x20, s29;
	s30 =	sadd.s32 $0x80, s30  }
0xd9: {  	v7 =	vmov s29;
	p2 =	slt.u32 s16, $0xF8  }
0xda: {  	v7 =	vshll.u32 v7, $0x3  }
0xdb: {  	v8 =	vor.u32 v0, v7;
	v7 =	vor.u32 v3, v7  }
0xdc: {  	v8 =	vadd.s32 v4, v8;
	v7 =	vadd.s32 v4, v7;
	_ =	sdelay $0x1  }
0xdd: {  	v5 =	vadd.f32 v6, v5;
	_ =	sdelay $0x1  }
0xde: {  	[tilespmem:s0+$0x30] =	vst v5;
	s0 =	smov.u32 s30  }
0xdf: {  	v5 =	vld.idx.msk [tilespmem:v8+s15+$0x0], $0xffff  }
0xe0: {  	s18 =	sadd.s32 $0x4, s29;
	v6 =	vld.idx.msk [tilespmem:v7+s15+$0x0], $0xffff  }
0xe1: {  	v7 =	vmov s18  }
0xe2: {  	v7 =	vshll.u32 v7, $0x3  }
0xe3: {  	v8 =	vor.u32 v0, v7;
	v7 =	vor.u32 v3, v7  }
0xe4: {  	v8 =	vadd.s32 v4, v8;
	v7 =	vadd.s32 v4, v7;
	_ =	sdelay $0x1  }
0xe5: {  	v5 =	vadd.f32 v6, v5;
	_ =	sdelay $0x1  }
0xe6: {  	[tilespmem:s30+$0xFFFFFFC0] =	vst v5  }
0xe7: {  	v5 =	vld.idx.msk [tilespmem:v8+s15+$0x0], $0xffff  }
0xe8: {  	s18 =	sadd.s32 $0x8, s29;
	v6 =	vld.idx.msk [tilespmem:v7+s15+$0x0], $0xffff  }
0xe9: {  	v7 =	vmov s18  }
0xea: {  	v7 =	vshll.u32 v7, $0x3  }
0xeb: {  	v8 =	vor.u32 v0, v7;
	v7 =	vor.u32 v3, v7  }
0xec: {  	v8 =	vadd.s32 v4, v8;
	v7 =	vadd.s32 v4, v7;
	_ =	sdelay $0x1  }
0xed: {  	v5 =	vadd.f32 v6, v5;
	_ =	sdelay $0x1  }
0xee: {  	[tilespmem:s30+$0xFFFFFFD0] =	vst v5  }
0xef: {  	v5 =	vld.idx.msk [tilespmem:v8+s15+$0x0], $0xffff  }
0xf0: {  	s18 =	sadd.s32 $0xC, s29;
	v6 =	vld.idx.msk [tilespmem:v7+s15+$0x0], $0xffff  }
0xf1: {  	v7 =	vmov s18  }
0xf2: {  	v7 =	vshll.u32 v7, $0x3  }
0xf3: {  	v8 =	vor.u32 v0, v7;
	v7 =	vor.u32 v3, v7  }
0xf4: {  	v8 =	vadd.s32 v4, v8;
	v7 =	vadd.s32 v4, v7;
	_ =	sdelay $0x1  }
0xf5: {  	v5 =	vadd.f32 v6, v5;
	_ =	sdelay $0x1  }
0xf6: {  	[tilespmem:s30+$0xFFFFFFE0] =	vst v5  }
0xf7: {  	v5 =	vld.idx.msk [tilespmem:v8+s15+$0x0], $0xffff  }
0xf8: {  	s18 =	sadd.s32 $0x10, s29;
	v6 =	vld.idx.msk [tilespmem:v7+s15+$0x0], $0xffff  }
0xf9: {  	v7 =	vmov s18  }
0xfa: {  	v7 =	vshll.u32 v7, $0x3  }
0xfb: {  	v8 =	vor.u32 v0, v7;
	v7 =	vor.u32 v3, v7  }
0xfc: {  	v8 =	vadd.s32 v4, v8;
	v7 =	vadd.s32 v4, v7;
	_ =	sdelay $0x1  }
0xfd: {  	v5 =	vadd.f32 v6, v5;
	_ =	sdelay $0x1  }
0xfe: {  	[tilespmem:s30+$0xFFFFFFF0] =	vst v5  }
0xff: {  	v5 =	vld.idx.msk [tilespmem:v8+s15+$0x0], $0xffff  }
0x100: {  	s18 =	sadd.s32 $0x14, s29;
	v6 =	vld.idx.msk [tilespmem:v7+s15+$0x0], $0xffff  }
0x101: {  	v7 =	vmov s18  }
0x102: {  	v7 =	vshll.u32 v7, $0x3  }
0x103: {  	v8 =	vor.u32 v0, v7;
	v7 =	vor.u32 v3, v7  }
0x104: {  	v8 =	vadd.s32 v4, v8;
	v7 =	vadd.s32 v4, v7;
	_ =	sdelay $0x1  }
0x105: {  	v5 =	vadd.f32 v6, v5;
	_ =	sdelay $0x1  }
0x106: {  	[tilespmem:s30+$0x0] =	vst v5  }
0x107: {  	v5 =	vld.idx.msk [tilespmem:v8+s15+$0x0], $0xffff  }
0x108: {  	s18 =	sadd.s32 $0x18, s29;
	v6 =	vld.idx.msk [tilespmem:v7+s15+$0x0], $0xffff  }
0x109: {  	v7 =	vmov s18  }
0x10a: {  	v7 =	vshll.u32 v7, $0x3  }
0x10b: {  	v8 =	vor.u32 v0, v7;
	v7 =	vor.u32 v3, v7  }
0x10c: {  	v8 =	vadd.s32 v4, v8;
	v7 =	vadd.s32 v4, v7;
	_ =	sdelay $0x1  }
0x10d: {  	v5 =	vadd.f32 v6, v5;
	_ =	sdelay $0x1  }
0x10e: {  	[tilespmem:s30+$0x10] =	vst v5  }
0x10f: {  	v5 =	vld.idx.msk [tilespmem:v8+s15+$0x0], $0xffff  }
0x110: {  	s18 =	sadd.s32 $0x1C, s29;
	v7 =	vld.idx.msk [tilespmem:v7+s15+$0x0], $0xffff  }
0x111: {  	v6 =	vmov s18  }
0x112: {  	v6 =	vshll.u32 v6, $0x3  }
0x113: {  	v8 =	vor.u32 v0, v6;
	v6 =	vor.u32 v3, v6  }
0x114: {  	v8 =	vadd.s32 v4, v8;
	v6 =	vadd.s32 v4, v6  }
.Ltmp8:
0x115: {  	(pc) =	sbr.rel @p2 .LBB2_16-.Ltmp8, $3  }
0x116: {  	v5 =	vadd.f32 v7, v5;
	_ =	sdelay $0x1  }
0x117: {  	[tilespmem:s30+$0x20] =	vst v5  }
0x118: {  	v5 =	vld.idx.msk [tilespmem:v8+s15+$0x0], $0xffff  }
0x119: {  	_ =	sdelay $0x1  }
0x11a: {  	s16 =	sand.u32 $0x7, s25  }
0x11b: {  	p2 =	seq.s32 s28, $0x0;
	p3 =	sne.s32 s16, $0x0  }
0x11c: {  	v4 =	vld.idx.msk [tilespmem:v6+s15+$0x0], $0xffff;
	p2 =	por !p2, !p3  }
0x11d: {  	s18 =	sshrl.u32 s28, $0x3;
	s16 =	simm.s32 $0x1;
	p2 =	por !p2, !p2  }
0x11e: {  	s29 =	sshll.u32 s25, $0x7;
	s25 =	sadd.s32 $0x1, s25;
	s16 =	simm.s32 @!p2 $0x0  }
0x11f: {  	p2 =	sne.s32 s25, $0x80;
	s16 =	ssub.s32 s18, s16  }
.Ltmp9:
0x120: {  	s18 =	sand.u32 $0x380, s29;
	s16 =	sshll.u32 s16, $0xF;
	(pc) =	sbr.rel @p2 .LBB2_8-.Ltmp9, $4  }
0x121: {  	v4 =	vadd.f32 v4, v5;
	s16 =	sor.u32 s18, s16  }
0x122: {  	s16 =	sshrl.u32 s16, $0x3  }
0x123: {  	s26 =	sadd.s32 $0x1, s26;
	p1 =	por !p1, !p1;
	[tilespmem:s0+$0x30] =	vst v4;
	s30 =	sadd.s32 s1, s16  }
0x124: {  	[hbm4b:s30+s23] =	stream.strided.scatter [tilespmem:s31], [sflag:$0x3], $0x1000, s14, s23, $0x38;
	[tilespmem:$0x1B000] =	vst v63  }
0x125: {  	s24 =	sadd.s32 $0x1, s24  }
0x126: {  	_ =	swait.ge [sflag:s22], $0x1000;
	p1 =	sne.s32 s24, s11  }
.Ltmp10:
0x127: {  	[sflag:s22] =	ssyncset.done $0x0;
	(pc) =	sbr.rel @p1 .LBB2_1-.Ltmp10, $4  }
0x128: {  	[sflag:s22] =	ssyncadd.s32 $0xFFFFF000  }
0x129: {  	_ =	swait.ge [sflag:s22], $0x1000  }
0x12a: {  	[sflag:s22] =	ssyncset.done $0x0  }
0x12b: {  	[sflag:s22] =	ssyncadd.s32 $0xFFFFF000  }
0x12c: {  	_ =	sfence.sel $0x180000  }
0x12d: {  	[bflag:$0x0] =	sbarrier.arrive $0xFFFF  }
0x12e: {  	_ =	strace $0x90000047  }
0x12f: {  	[bflag:$0x2] =	sbarrier.arrive $0xFFFF  }
0x130: {  	s0 =	rddreg [dreg:$0x3]  }
0x131: {  	s0 =	sadd.s32 @!p0 $0x100000, s0  }
0x132: {  	[sflag:s0] =	ssyncadd.tile.s32 @!p0 $0x1;
	_ =	shalt  }
.Lfunc_end2:
_tile_overlayer_lowered:
.L_overlay_start_2:
0x133: {  	(tag) =	ssettag $0x2  }
0x134: {  	s0 =	rddreg [dreg:$0x0];
	s2 =	stileid.u32  }
0x135: {  	s1 =	rddreg [dreg:$0x1];
	p0 =	sne.s32 s2, $0x0  }
0x136: {  	s3 =	rddreg [dreg:$0x2];
	[bflag:$0x3] =	sbarrier.arrive $0xFFFF;
	s2 =	simm.s32 @!p0 $0x1C04  }
0x137: {  	[timem:s3], [sflag:s2] =	dma.local @!p0 [hbm:s0], s1  }
0x138: {  	s0 =	simm.s32 @!p0 $0x4  }
0x139: {  	_ =	swait.ge @!p0 [sflag:s0], s1  }
0x13a: {  	s1 =	ssub.s32 @!p0 $0x0, s1;
	[sflag:s0] =	ssyncset.done @!p0 $0x0  }
0x13b: {  	[sflag:s0] =	ssyncadd.s32 @!p0 s1  }
0x13c: {  	[bflag:$0x3] =	sbarrier.arrive $0xFFFF  }
0x13d: {  	_ =	shalt  }

</sc_bundles>
